<compile_context>
chip_gen: v7x
topology: tpu7x:2x2x1
jax: 0.10.2.dev20260603
libtpu: 0.0.44.dev20260713+nightly
codegen_flags: <defaults>
</compile_context>

<pallas_src>
import functools

import jax
import jax.numpy as jnp
from jax import lax
from jax.experimental import pallas as pl
from jax.experimental.pallas import tpu as pltpu
from jax.experimental.pallas import tpu_sc as plsc

K = 20
EPS = 1e-5
RN = 256
SC_CHUNK = 128


def _topk_body(xt_ref, x_ref, xxc_ref, xxr_ref, wa_ref, wq_ref, b1_ref,
               idx_ref, p_ref, r_ref):
    b = pl.program_id(0)
    xt = xt_ref[0]
    xb = x_ref[0]
    n = xb.shape[1]
    dn = (((1,), (0,)), ((), ()))
    p_ref[0] = lax.dot_general(xt, wa_ref[...], dn,
                               precision=lax.Precision.HIGHEST,
                               preferred_element_type=jnp.float32)
    r_ref[0] = lax.dot_general(xt, wq_ref[...], dn,
                               precision=lax.Precision.HIGHEST,
                               preferred_element_type=jnp.float32) + b1_ref[...]
    d2 = 2.0 * lax.dot_general(xt, xb, dn, preferred_element_type=jnp.float32)
    nd = (d2 - xxc_ref[0]) - xxr_ref[0]
    h = n // 2
    lv = nd[:, :h]
    rv = nd[:, h:]
    ge = lv >= rv
    fv = jnp.where(ge, lv, rv)
    gv = jnp.where(ge, rv, lv)
    il = lax.broadcasted_iota(jnp.int32, lv.shape, 1).astype(jnp.float32)
    ir = il + jnp.float32(h)
    i1 = jnp.where(ge, il, ir)
    i2 = jnp.where(ge, ir, il)
    bigf = jnp.float32(n)
    ninf = jnp.float32(-jnp.inf)
    cols = []
    for _ in range(K):
        m = jnp.max(fv, axis=1, keepdims=True)
        cand = jnp.where(fv == m, i1, bigf)
        ai = jnp.min(cand, axis=1, keepdims=True)
        cols.append(ai)
        aj = jnp.where(ai >= jnp.float32(h), ai - jnp.float32(h), ai)
        pos = il == aj
        fv = jnp.where(pos, gv, fv)
        i1 = jnp.where(pos, i2, i1)
        gv = jnp.where(pos, ninf, gv)
    idx = jnp.concatenate(cols, axis=1).astype(jnp.int32)
    idx_ref[0] = idx + b * n


def _topk_call(xT, x, xxc, xxr, WaT, WqT, b1):
    B, N, C = xT.shape
    O = WaT.shape[1]
    grid = (B, N // RN)
    return pl.pallas_call(
        _topk_body,
        grid=grid,
        in_specs=[
            pl.BlockSpec((1, RN, C), lambda b, i: (b, i, 0)),
            pl.BlockSpec((1, C, N), lambda b, i: (b, 0, 0)),
            pl.BlockSpec((1, RN, 1), lambda b, i: (b, i, 0)),
            pl.BlockSpec((1, 1, N), lambda b, i: (b, 0, 0)),
            pl.BlockSpec((C, O), lambda b, i: (0, 0)),
            pl.BlockSpec((C, O), lambda b, i: (0, 0)),
            pl.BlockSpec((1, O), lambda b, i: (0, 0)),
        ],
        out_specs=[
            pl.BlockSpec((1, RN, K), lambda b, i: (b, i, 0)),
            pl.BlockSpec((1, RN, O), lambda b, i: (b, i, 0)),
            pl.BlockSpec((1, RN, O), lambda b, i: (b, i, 0)),
        ],
        out_shape=[
            jax.ShapeDtypeStruct((B, N, K), jnp.int32),
            jax.ShapeDtypeStruct((B, N, O), jnp.float32),
            jax.ShapeDtypeStruct((B, N, O), jnp.float32),
        ],
    )(xT, x, xxc, xxr, WaT, WqT, b1)


def _sc_gather(gidx, table):
    E = gidx.shape[0]
    O = table.shape[1]
    info = plsc.get_sparse_core_info()
    nw = info.num_cores * info.num_subcores
    per_w = E // nw
    chunks = per_w // SC_CHUNK
    pairs = chunks // 2
    mesh = plsc.VectorSubcoreMesh(core_axis_name="c", subcore_axis_name="s")

    @functools.partial(
        pl.kernel,
        out_type=jax.ShapeDtypeStruct((E, O), jnp.float32),
        mesh=mesh,
        compiler_params=pltpu.CompilerParams(use_tc_tiling_on_sc=False),
        scratch_types=[
            pltpu.VMEM((per_w,), jnp.int32),
            pltpu.VMEM((SC_CHUNK, O), jnp.float32),
            pltpu.VMEM((SC_CHUNK, O), jnp.float32),
            pltpu.SemaphoreType.DMA,
            pltpu.SemaphoreType.DMA,
        ],
    )
    def gather_kernel(idx_hbm, tab_hbm, out_hbm, idx_v, rows0, rows1,
                      sem0, sem1):
        wid = lax.axis_index("s") * info.num_cores + lax.axis_index("c")
        base = wid * per_w
        pltpu.sync_copy(idx_hbm.at[pl.ds(base, per_w)], idx_v)

        def gstart(j, rows, sem):
            pltpu.async_copy(
                tab_hbm.at[idx_v.at[pl.ds(j * SC_CHUNK, SC_CHUNK)]], rows, sem)

        def gwait(rows, sem):
            pltpu.make_async_copy(
                tab_hbm.at[pl.ds(0, SC_CHUNK)], rows, sem).wait()

        def store(j, rows):
            pltpu.sync_copy(rows,
                            out_hbm.at[pl.ds(base + j * SC_CHUNK, SC_CHUNK)])

        gstart(0, rows0, sem0)

        def pair(i, carry):
            j0 = 2 * i
            gstart(j0 + 1, rows1, sem1)
            gwait(rows0, sem0)
            store(j0, rows0)

            @pl.when(j0 + 2 < chunks)
            def _():
                gstart(j0 + 2, rows0, sem0)

            gwait(rows1, sem1)
            store(j0 + 1, rows1)
            return carry

        lax.fori_loop(0, pairs, pair, 0)

    return gather_kernel(gidx, table)


def _c0_body(g_ref, r_ref, s_ref):
    @pl.when(jnp.logical_and(pl.program_id(0) == 0, pl.program_id(1) == 0))
    def _():
        s_ref[...] = jnp.zeros_like(s_ref)

    y = g_ref[0] + r_ref[0][None]
    kk, rn, o = y.shape
    y2d = y.reshape(kk * rn, o)
    s1 = jnp.sum(y2d, axis=0, keepdims=True)
    s2 = jnp.sum(y2d * y2d, axis=0, keepdims=True)
    s_ref[...] += jnp.concatenate([s1, s2], axis=0)


def _c0_call(G4, rT):
    B, Kk, N, O = G4.shape
    return pl.pallas_call(
        _c0_body,
        grid=(B, N // RN),
        in_specs=[
            pl.BlockSpec((1, Kk, RN, O), lambda b, i: (b, 0, i, 0)),
            pl.BlockSpec((1, RN, O), lambda b, i: (b, i, 0)),
        ],
        out_specs=pl.BlockSpec((2, O), lambda b, i: (0, 0)),
        out_shape=jax.ShapeDtypeStruct((2, O), jnp.float32),
    )(G4, rT)


def _c1_body(g_ref, r_ref, sb_ref, w2t_ref, g1_ref, be1_ref, m_ref, t_ref,
             *, cnt_inv):
    @pl.when(jnp.logical_and(pl.program_id(0) == 0, pl.program_id(1) == 0))
    def _():
        t_ref[...] = jnp.zeros_like(t_ref)

    y = g_ref[0] + r_ref[0][None]
    kk, rn, o = y.shape
    y2d = y.reshape(kk * rn, o)
    mu = sb_ref[0:1, :] * cnt_inv
    var = sb_ref[1:2, :] * cnt_inv - mu * mu
    a = g1_ref[...] * lax.rsqrt(var + EPS)
    h = jnp.maximum((y2d - mu) * a + be1_ref[...], 0.0)
    y2 = lax.dot_general(h, w2t_ref[...], (((1,), (0,)), ((), ())),
                         precision=lax.Precision.HIGHEST,
                         preferred_element_type=jnp.float32)
    m_ref[0] = jnp.max(y2.reshape(kk, rn, o), axis=0)
    t1 = jnp.sum(y2, axis=0, keepdims=True)
    t2 = jnp.sum(y2 * y2, axis=0, keepdims=True)
    t_ref[...] += jnp.concatenate([t1, t2], axis=0)


def _c1_call(G4, rT, SB, W2T, g1, be1, cnt):
    B, Kk, N, O = G4.shape
    return pl.pallas_call(
        functools.partial(_c1_body, cnt_inv=1.0 / cnt),
        grid=(B, N // RN),
        in_specs=[
            pl.BlockSpec((1, Kk, RN, O), lambda b, i: (b, 0, i, 0)),
            pl.BlockSpec((1, RN, O), lambda b, i: (b, i, 0)),
            pl.BlockSpec((2, O), lambda b, i: (0, 0)),
            pl.BlockSpec((O, O), lambda b, i: (0, 0)),
            pl.BlockSpec((1, O), lambda b, i: (0, 0)),
            pl.BlockSpec((1, O), lambda b, i: (0, 0)),
        ],
        out_specs=[
            pl.BlockSpec((1, RN, O), lambda b, i: (b, i, 0)),
            pl.BlockSpec((2, O), lambda b, i: (0, 0)),
        ],
        out_shape=[
            jax.ShapeDtypeStruct((B, N, O), jnp.float32),
            jax.ShapeDtypeStruct((2, O), jnp.float32),
        ],
    )(G4, rT, SB, W2T, g1, be1)


def _c3_body(m_ref, t_ref, g2_ref, be2_ref, o_ref, *, cnt_inv):
    mu = t_ref[0:1, :] * cnt_inv
    var = t_ref[1:2, :] * cnt_inv - mu * mu
    a = g2_ref[...] * lax.rsqrt(var + EPS)
    o_ref[0] = jnp.maximum((m_ref[0] - mu) * a + be2_ref[...], 0.0)


def _c3_call(M, T, g2, be2, cnt):
    B, N, O = M.shape
    return pl.pallas_call(
        functools.partial(_c3_body, cnt_inv=1.0 / cnt),
        grid=(B,),
        in_specs=[
            pl.BlockSpec((1, N, O), lambda b: (b, 0, 0)),
            pl.BlockSpec((2, O), lambda b: (0, 0)),
            pl.BlockSpec((1, O), lambda b: (0, 0)),
            pl.BlockSpec((1, O), lambda b: (0, 0)),
        ],
        out_specs=pl.BlockSpec((1, N, O), lambda b: (b, 0, 0)),
        out_shape=jax.ShapeDtypeStruct((B, N, O), jnp.float32),
    )(M, T, g2, be2)


def kernel(x, W1, b1, g1, be1, W2, b2, g2, be2):
    B, C, N = x.shape
    O = W1.shape[0]
    xT = jnp.transpose(x, (0, 2, 1))
    xx = jnp.sum(x * x, axis=1)
    WaT = jnp.transpose(W1[:, :C])
    WqT = jnp.transpose(W1[:, C:] - W1[:, :C])
    W2T = jnp.transpose(W2)
    b1r, g1r, be1r = b1.reshape(1, O), g1.reshape(1, O), be1.reshape(1, O)

    idx, pT, rT = _topk_call(xT, x, xx.reshape(B, N, 1), xx.reshape(B, 1, N),
                             WaT, WqT, b1r)
    gidx = jnp.transpose(idx, (0, 2, 1)).reshape(-1)
    G = _sc_gather(gidx, pT.reshape(B * N, O))
    G4 = G.reshape(B, K, N, O)

    SB = _c0_call(G4, rT)
    cnt = float(B * N * K)
    M, T = _c1_call(G4, rT, SB, W2T, g1r, be1r, cnt)
    out = _c3_call(M, T, g2.reshape(1, O), be2.reshape(1, O), cnt)
    return jnp.transpose(out, (0, 2, 1))

# --- scband reference (transcript-rebuilt; emitter-appended) ---
"""Pipeline reference for scband-local-edge-conv-81870666596741 (READ-ONLY COPY).

The authoritative reference and input builder live on the scoring server;
editing this copy changes nothing except your own understanding.
"""

import jax, jax.numpy as jnp
import numpy as np

K = 20
EPS = 1e-5


def setup_inputs(seed: int = 0) -> dict:
    key = jax.random.key(seed)
    ks = jax.random.split(key, 3)
    B, C, N, O = 4, 64, 4096, 64
    x = jax.random.normal(ks[0], (B, C, N), dtype=jnp.float32)
    W1 = jax.random.normal(ks[1], (O, 2 * C), dtype=jnp.float32) * (1.0 / np.sqrt(2 * C))
    b1 = jnp.zeros((O,), dtype=jnp.float32)
    g1 = jnp.ones((O,), dtype=jnp.float32)
    be1 = jnp.zeros((O,), dtype=jnp.float32)
    W2 = jax.random.normal(ks[2], (O, O), dtype=jnp.float32) * (1.0 / np.sqrt(O))
    b2 = jnp.zeros((O,), dtype=jnp.float32)
    g2 = jnp.ones((O,), dtype=jnp.float32)
    be2 = jnp.zeros((O,), dtype=jnp.float32)
    return {"x": x, "W1": W1, "b1": b1, "g1": g1, "be1": be1,
            "W2": W2, "b2": b2, "g2": g2, "be2": be2}


def _knn_idx(x, k):
    # x: [B, C, N] -> idx: [B, N, k] of nearest neighbours (incl. self), DGCNN-style
    inner = -2.0 * jnp.einsum('bcn,bcm->bnm', x, x)
    xx = jnp.sum(x * x, axis=1, keepdims=True)  # [B, 1, N]
    neg_dist = -jnp.transpose(xx, (0, 2, 1)) - inner - xx  # [B, N, N]
    return jax.lax.top_k(neg_dist, k)[1]


def _edge_features(x, k):
    # extract_local_features: DGCNN get_graph_feature -> [B, 2C, N, k]
    B, C, N = x.shape
    idx = _knn_idx(x, k)                      # [B, N, k]
    xt = jnp.transpose(x, (0, 2, 1))          # [B, N, C]
    flat = idx.reshape(B, N * k)
    nbr = jnp.take_along_axis(xt, flat[:, :, None], axis=1).reshape(B, N, k, C)
    xi = jnp.broadcast_to(xt[:, :, None, :], (B, N, k, C))
    edge = jnp.concatenate([nbr - xi, xi], axis=-1)   # [B, N, k, 2C]
    return jnp.transpose(edge, (0, 3, 1, 2))          # [B, 2C, N, k]


def _conv_bn(h, W, b, g, be):
    # Conv2d(kernel=1) + BatchNorm2d (training-mode batch statistics)
    y = jnp.einsum('bcnk,oc->bonk', h, W) + b[None, :, None, None]
    mu = jnp.mean(y, axis=(0, 2, 3), keepdims=True)
    var = jnp.var(y, axis=(0, 2, 3), keepdims=True)
    yhat = (y - mu) / jnp.sqrt(var + EPS)
    return yhat * g[None, :, None, None] + be[None, :, None, None]


def reference(x, W1, b1, g1, be1, W2, b2, g2, be2):
    edge = _edge_features(x, K)
    h = jax.nn.relu(_conv_bn(edge, W1, b1, g1, be1))
    h = jax.nn.relu(_conv_bn(h, W2, b2, g2, be2))
    return jnp.max(h, axis=-1)  # [B, out_ch, N]

if __name__ == "__main__":
    import jax
    _d = setup_inputs()
    print(jax.jit(kernel)(*tuple(_d.values())))

</pallas_src>

<mosaic_0001>
#map = affine_map<(d0, d1) -> (0)>
#map1 = affine_map<(d0, d1) -> (0, 0)>
module attributes {stable_mosaic.version = 14 : i64} {
  func.func @gather_kernel(%arg0: i32, %arg1: i32, %arg2: memref<327680xi32, #tpu.memory_space<hbm>>, %arg3: memref<16384x64xf32, #tpu.memory_space<hbm>>, %arg4: memref<327680x64xf32, #tpu.memory_space<hbm>>, %arg5: memref<10240xi32, #tpu.memory_space<vmem>>, %arg6: memref<128x64xf32, #tpu.memory_space<vmem>>, %arg7: memref<128x64xf32, #tpu.memory_space<vmem>>, %arg8: memref<!tpu.dma_semaphore, #tpu.memory_space<semaphore_mem>>, %arg9: memref<!tpu.dma_semaphore, #tpu.memory_space<semaphore_mem>>) attributes {dimension_semantics = [#tpu.dimension_semantics<core_parallel>, #tpu.dimension_semantics<subcore_parallel>], iteration_bounds = array<i64: 2, 16>, scalar_prefetch = 0 : i64, scratch_operands = 5 : i64, tpu.core_type = #tpu.core_type<sc_vector_subcore>, window_params = [{transform_indices = #map}, {transform_indices = #map1}, {transform_indices = #map1}]} {
    %mul3A = arith.constant 2 : i32
    %mul3A_0 = arith.muli %arg1, %mul3A : i32
    %add3A = arith.addi %mul3A_0, %arg0 : i32
    %mul3A_1 = arith.constant 10240 : i32
    %mul3A_2 = arith.muli %add3A, %mul3A_1 : i32
    "tpu.region"() ({
      %run_scoped3A = tpu.sem_alloc : memref<!tpu.dma_semaphore, #tpu.memory_space<semaphore_mem>>
      %dma_start3A_12 = tpu.memref_slice %arg2[%mul3A_2] : memref<327680xi32, #tpu.memory_space<hbm>> -> memref<10240xi32, #tpu.memory_space<hbm>>
      %dma_start3A_13 = tpu.memref_slice %arg2[%mul3A_2] : memref<327680xi32, #tpu.memory_space<hbm>> -> memref<10240xi32, #tpu.memory_space<hbm>>
      tpu.enqueue_dma source(%dma_start3A_13 : memref<10240xi32, #tpu.memory_space<hbm>>) target(%arg5 : memref<10240xi32, #tpu.memory_space<vmem>>) target_semaphore(%run_scoped3A : memref<!tpu.dma_semaphore, #tpu.memory_space<semaphore_mem>>)
      %dma_wait3A = tpu.memref_slice %arg2[%mul3A_2] : memref<327680xi32, #tpu.memory_space<hbm>> -> memref<10240xi32, #tpu.memory_space<hbm>>
      %dma_wait3A_14 = tpu.memref_slice %arg2[%mul3A_2] : memref<327680xi32, #tpu.memory_space<hbm>> -> memref<10240xi32, #tpu.memory_space<hbm>>
      tpu.wait_dma2 semaphore(%run_scoped3A : memref<!tpu.dma_semaphore, #tpu.memory_space<semaphore_mem>>) src(%dma_wait3A_14 : memref<10240xi32, #tpu.memory_space<hbm>>) dst(%arg5 : memref<10240xi32, #tpu.memory_space<vmem>>)
      tpu.yield
    }) : () -> ()
    %dma_start3A = arith.constant 0 : i32
    %dma_start3A_3 = tpu.memref_slice %arg5[%dma_start3A] : memref<10240xi32, #tpu.memory_space<vmem>> -> memref<128xi32, #tpu.memory_space<vmem>>
    %dma_start3A_4 = arith.constant 0 : i32
    %dma_start3A_5 = arith.constant 0 : i32
    %dma_start3A_6 = tpu.memref_slice %arg3[%dma_start3A_4, %dma_start3A_5] : memref<16384x64xf32, #tpu.memory_space<hbm>> -> memref<16384x64xf32, #tpu.memory_space<hbm>>
    tpu.enqueue_indirect_dma source(%dma_start3A_6 : memref<16384x64xf32, #tpu.memory_space<hbm>>) target(%arg6 : memref<128x64xf32, #tpu.memory_space<vmem>>) offsets(%dma_start3A_3 : memref<128xi32, #tpu.memory_space<vmem>>) semaphore(%arg8 : memref<!tpu.dma_semaphore, #tpu.memory_space<semaphore_mem>>)
    %scan3A = arith.constant 0 : i32
    %scan3A_7 = arith.constant 0 : i32
    %scan3A_8 = arith.constant 40 : i32
    %scan3A_9 = arith.addi %scan3A_7, %scan3A_8 : i32
    %scan3A_10 = arith.constant 1 : i32
    scf.for %scan3A_12 = %scan3A_7 to %scan3A_9 step %scan3A_10  : i32 {
      %mul3A_13 = arith.constant 2 : i32
      %mul3A_14 = arith.muli %mul3A_13, %scan3A_12 : i32
      %add3A_15 = arith.constant 1 : i32
      %add3A_16 = arith.addi %mul3A_14, %add3A_15 : i32
      %mul3A_17 = arith.constant 128 : i32
      %mul3A_18 = arith.muli %add3A_16, %mul3A_17 : i32
      %dma_start3A_19 = tpu.memref_slice %arg5[%mul3A_18] : memref<10240xi32, #tpu.memory_space<vmem>> -> memref<128xi32, #tpu.memory_space<vmem>>
      %dma_start3A_20 = arith.constant 0 : i32
      %dma_start3A_21 = arith.constant 0 : i32
      %dma_start3A_22 = tpu.memref_slice %arg3[%dma_start3A_20, %dma_start3A_21] : memref<16384x64xf32, #tpu.memory_space<hbm>> -> memref<16384x64xf32, #tpu.memory_space<hbm>>
      tpu.enqueue_indirect_dma source(%dma_start3A_22 : memref<16384x64xf32, #tpu.memory_space<hbm>>) target(%arg7 : memref<128x64xf32, #tpu.memory_space<vmem>>) offsets(%dma_start3A_19 : memref<128xi32, #tpu.memory_space<vmem>>) semaphore(%arg9 : memref<!tpu.dma_semaphore, #tpu.memory_space<semaphore_mem>>)
      %dma_wait3A = arith.constant 0 : i32
      %dma_wait3A_23 = arith.constant 0 : i32
      %dma_wait3A_24 = tpu.memref_slice %arg3[%dma_wait3A, %dma_wait3A_23] : memref<16384x64xf32, #tpu.memory_space<hbm>> -> memref<128x64xf32, #tpu.memory_space<hbm>>
      %dma_wait3A_25 = arith.constant 0 : i32
      %dma_wait3A_26 = arith.constant 0 : i32
      %dma_wait3A_27 = tpu.memref_slice %arg3[%dma_wait3A_25, %dma_wait3A_26] : memref<16384x64xf32, #tpu.memory_space<hbm>> -> memref<128x64xf32, #tpu.memory_space<hbm>>
      tpu.wait_dma2 semaphore(%arg8 : memref<!tpu.dma_semaphore, #tpu.memory_space<semaphore_mem>>) src(%dma_wait3A_27 : memref<128x64xf32, #tpu.memory_space<hbm>>) dst(%arg6 : memref<128x64xf32, #tpu.memory_space<vmem>>)
      %mul3A_28 = arith.constant 128 : i32
      %mul3A_29 = arith.muli %mul3A_14, %mul3A_28 : i32
      %add3A_30 = arith.addi %mul3A_2, %mul3A_29 : i32
      "tpu.region"() ({
        %run_scoped3A = tpu.sem_alloc : memref<!tpu.dma_semaphore, #tpu.memory_space<semaphore_mem>>
        %dma_start3A_46 = arith.constant 0 : i32
        %dma_start3A_47 = tpu.memref_slice %arg4[%add3A_30, %dma_start3A_46] : memref<327680x64xf32, #tpu.memory_space<hbm>> -> memref<128x64xf32, #tpu.memory_space<hbm>>
        %dma_start3A_48 = arith.constant 0 : i32
        %dma_start3A_49 = tpu.memref_slice %arg4[%add3A_30, %dma_start3A_48] : memref<327680x64xf32, #tpu.memory_space<hbm>> -> memref<128x64xf32, #tpu.memory_space<hbm>>
        tpu.enqueue_dma source(%arg6 : memref<128x64xf32, #tpu.memory_space<vmem>>) target(%dma_start3A_49 : memref<128x64xf32, #tpu.memory_space<hbm>>) target_semaphore(%run_scoped3A : memref<!tpu.dma_semaphore, #tpu.memory_space<semaphore_mem>>)
        %dma_wait3A_50 = arith.constant 0 : i32
        %dma_wait3A_51 = tpu.memref_slice %arg4[%add3A_30, %dma_wait3A_50] : memref<327680x64xf32, #tpu.memory_space<hbm>> -> memref<128x64xf32, #tpu.memory_space<hbm>>
        %dma_wait3A_52 = arith.constant 0 : i32
        %dma_wait3A_53 = tpu.memref_slice %arg4[%add3A_30, %dma_wait3A_52] : memref<327680x64xf32, #tpu.memory_space<hbm>> -> memref<128x64xf32, #tpu.memory_space<hbm>>
        tpu.wait_dma2 semaphore(%run_scoped3A : memref<!tpu.dma_semaphore, #tpu.memory_space<semaphore_mem>>) src(%arg6 : memref<128x64xf32, #tpu.memory_space<vmem>>) dst(%dma_wait3A_53 : memref<128x64xf32, #tpu.memory_space<hbm>>)
        tpu.yield
      }) : () -> ()
      %add3A_31 = arith.constant 2 : i32
      %add3A_32 = arith.addi %mul3A_14, %add3A_31 : i32
      %lt3A = arith.constant 80 : i32
      %lt3A_33 = arith.cmpi slt, %add3A_32, %lt3A : i32
      %convert_element_type3A = arith.extui %lt3A_33 : i1 to i32
      %cond3A = arith.constant 0 : i32
      %cond3A_34 = arith.cmpi ne, %convert_element_type3A, %cond3A : i32
      scf.if %cond3A_34 {
        %add3A_46 = arith.constant 2 : i32
        %add3A_47 = arith.addi %mul3A_14, %add3A_46 : i32
        %mul3A_48 = arith.constant 128 : i32
        %mul3A_49 = arith.muli %add3A_47, %mul3A_48 : i32
        %dma_start3A_50 = tpu.memref_slice %arg5[%mul3A_49] : memref<10240xi32, #tpu.memory_space<vmem>> -> memref<128xi32, #tpu.memory_space<vmem>>
        %dma_start3A_51 = arith.constant 0 : i32
        %dma_start3A_52 = arith.constant 0 : i32
        %dma_start3A_53 = tpu.memref_slice %arg3[%dma_start3A_51, %dma_start3A_52] : memref<16384x64xf32, #tpu.memory_space<hbm>> -> memref<16384x64xf32, #tpu.memory_space<hbm>>
        tpu.enqueue_indirect_dma source(%dma_start3A_53 : memref<16384x64xf32, #tpu.memory_space<hbm>>) target(%arg6 : memref<128x64xf32, #tpu.memory_space<vmem>>) offsets(%dma_start3A_50 : memref<128xi32, #tpu.memory_space<vmem>>) semaphore(%arg8 : memref<!tpu.dma_semaphore, #tpu.memory_space<semaphore_mem>>)
      } else {
      }
      %dma_wait3A_35 = arith.constant 0 : i32
      %dma_wait3A_36 = arith.constant 0 : i32
      %dma_wait3A_37 = tpu.memref_slice %arg3[%dma_wait3A_35, %dma_wait3A_36] : memref<16384x64xf32, #tpu.memory_space<hbm>> -> memref<128x64xf32, #tpu.memory_space<hbm>>
      %dma_wait3A_38 = arith.constant 0 : i32
      %dma_wait3A_39 = arith.constant 0 : i32
      %dma_wait3A_40 = tpu.memref_slice %arg3[%dma_wait3A_38, %dma_wait3A_39] : memref<16384x64xf32, #tpu.memory_space<hbm>> -> memref<128x64xf32, #tpu.memory_space<hbm>>
      tpu.wait_dma2 semaphore(%arg9 : memref<!tpu.dma_semaphore, #tpu.memory_space<semaphore_mem>>) src(%dma_wait3A_40 : memref<128x64xf32, #tpu.memory_space<hbm>>) dst(%arg7 : memref<128x64xf32, #tpu.memory_space<vmem>>)
      %add3A_41 = arith.constant 1 : i32
      %add3A_42 = arith.addi %mul3A_14, %add3A_41 : i32
      %mul3A_43 = arith.constant 128 : i32
      %mul3A_44 = arith.muli %add3A_42, %mul3A_43 : i32
      %add3A_45 = arith.addi %mul3A_2, %mul3A_44 : i32
      "tpu.region"() ({
        %run_scoped3A = tpu.sem_alloc : memref<!tpu.dma_semaphore, #tpu.memory_space<semaphore_mem>>
        %dma_start3A_46 = arith.constant 0 : i32
        %dma_start3A_47 = tpu.memref_slice %arg4[%add3A_45, %dma_start3A_46] : memref<327680x64xf32, #tpu.memory_space<hbm>> -> memref<128x64xf32, #tpu.memory_space<hbm>>
        %dma_start3A_48 = arith.constant 0 : i32
        %dma_start3A_49 = tpu.memref_slice %arg4[%add3A_45, %dma_start3A_48] : memref<327680x64xf32, #tpu.memory_space<hbm>> -> memref<128x64xf32, #tpu.memory_space<hbm>>
        tpu.enqueue_dma source(%arg7 : memref<128x64xf32, #tpu.memory_space<vmem>>) target(%dma_start3A_49 : memref<128x64xf32, #tpu.memory_space<hbm>>) target_semaphore(%run_scoped3A : memref<!tpu.dma_semaphore, #tpu.memory_space<semaphore_mem>>)
        %dma_wait3A_50 = arith.constant 0 : i32
        %dma_wait3A_51 = tpu.memref_slice %arg4[%add3A_45, %dma_wait3A_50] : memref<327680x64xf32, #tpu.memory_space<hbm>> -> memref<128x64xf32, #tpu.memory_space<hbm>>
        %dma_wait3A_52 = arith.constant 0 : i32
        %dma_wait3A_53 = tpu.memref_slice %arg4[%add3A_45, %dma_wait3A_52] : memref<327680x64xf32, #tpu.memory_space<hbm>> -> memref<128x64xf32, #tpu.memory_space<hbm>>
        tpu.wait_dma2 semaphore(%run_scoped3A : memref<!tpu.dma_semaphore, #tpu.memory_space<semaphore_mem>>) src(%arg7 : memref<128x64xf32, #tpu.memory_space<vmem>>) dst(%dma_wait3A_53 : memref<128x64xf32, #tpu.memory_space<hbm>>)
        tpu.yield
      }) : () -> ()
    }
    %scan3A_11 = arith.constant 40 : i32
    return
  }
}

module attributes {stable_mosaic.version = 14 : i64} {
  func.func @_topk_body(%arg0: i32, %arg1: i32, %arg2: memref<1x256x64xf32, #tpu.memory_space<vmem>>, %arg3: memref<1x64x4096xf32, #tpu.memory_space<vmem>>, %arg4: memref<1x256x1xf32, #tpu.memory_space<vmem>>, %arg5: memref<1x1x4096xf32, #tpu.memory_space<vmem>>, %arg6: memref<64x64xf32, #tpu.memory_space<vmem>>, %arg7: memref<64x64xf32, #tpu.memory_space<vmem>>, %arg8: memref<1x64xf32, #tpu.memory_space<vmem>>, %arg9: memref<1x256x20xi32, #tpu.memory_space<vmem>>, %arg10: memref<1x256x64xf32, #tpu.memory_space<vmem>>, %arg11: memref<1x256x64xf32, #tpu.memory_space<vmem>>) attributes {dimension_semantics = [#tpu.dimension_semantics<arbitrary>, #tpu.dimension_semantics<arbitrary>], iteration_bounds = array<i64: 4, 16>, scalar_prefetch = 0 : i64, scratch_operands = 0 : i64, tpu.core_type = #tpu.core_type<tc>, window_params = [{transform_indices = @transform_0, window_bounds = array<i64: 1, 256, 64>}, {transform_indices = @transform_1, window_bounds = array<i64: 1, 64, 4096>}, {transform_indices = @transform_2, window_bounds = array<i64: 1, 256, 1>}, {transform_indices = @transform_3, window_bounds = array<i64: 1, 1, 4096>}, {pipeline_mode = #tpu.pipeline_mode<synchronous>, transform_indices = @transform_4, window_bounds = array<i64: 64, 64>}, {pipeline_mode = #tpu.pipeline_mode<synchronous>, transform_indices = @transform_5, window_bounds = array<i64: 64, 64>}, {pipeline_mode = #tpu.pipeline_mode<synchronous>, transform_indices = @transform_6, window_bounds = array<i64: 1, 64>}, {transform_indices = @transform_7, window_bounds = array<i64: 1, 256, 20>}, {transform_indices = @transform_8, window_bounds = array<i64: 1, 256, 64>}, {transform_indices = @transform_9, window_bounds = array<i64: 1, 256, 64>}]} {
    %get3A = arith.constant 0 : index
    %get3A_0 = arith.constant 0 : index
    %get3A_1 = arith.constant 0 : index
    %get3A_2 = vector.load %arg2[%get3A, %get3A_0, %get3A_1] : memref<1x256x64xf32, #tpu.memory_space<vmem>>, vector<1x256x64xf32>
    %get3A_3 = vector.shape_cast %get3A_2 : vector<1x256x64xf32> to vector<256x64xf32>
    %get3A_4 = arith.constant 0 : index
    %get3A_5 = arith.constant 0 : index
    %get3A_6 = arith.constant 0 : index
    %get3A_7 = vector.load %arg3[%get3A_4, %get3A_5, %get3A_6] : memref<1x64x4096xf32, #tpu.memory_space<vmem>>, vector<1x64x4096xf32>
    %get3A_8 = vector.shape_cast %get3A_7 : vector<1x64x4096xf32> to vector<64x4096xf32>
    %get3A_9 = arith.constant 0 : index
    %get3A_10 = arith.constant 0 : index
    %get3A_11 = vector.load %arg6[%get3A_9, %get3A_10] : memref<64x64xf32, #tpu.memory_space<vmem>>, vector<64x64xf32>
    %dot_general3A = arith.constant dense<0.000000e+00> : vector<256x64xf32>
    %dot_general3A_12 = tpu.matmul %get3A_3, %get3A_11, %dot_general3A {dimension_numbers = #tpu.dot_dimension_numbers<[1], [0], [0], [1], [0, 0, 1, 1], [], []>, precision = #tpu.contract_precision<fp32>, transpose_lhs_hint = false} : vector<256x64xf32>, vector<64x64xf32>, vector<256x64xf32> -> vector<256x64xf32>
    %swap3A = arith.constant 0 : index
    %swap3A_13 = arith.constant 0 : index
    %swap3A_14 = arith.constant 0 : index
    %swap3A_15 = vector.load %arg10[%swap3A, %swap3A_13, %swap3A_14] : memref<1x256x64xf32, #tpu.memory_space<vmem>>, vector<1x256x64xf32>
    %swap3A_16 = vector.shape_cast %swap3A_15 : vector<1x256x64xf32> to vector<256x64xf32>
    %swap3A_17 = vector.shape_cast %dot_general3A_12 : vector<256x64xf32> to vector<1x256x64xf32>
    tpu.vector_store %arg10[%swap3A, %swap3A_13, %swap3A_14], %swap3A_17 {strides = array<i32>} : memref<1x256x64xf32, #tpu.memory_space<vmem>>, vector<1x256x64xf32>,
    %get3A_18 = arith.constant 0 : index
    %get3A_19 = arith.constant 0 : index
    %get3A_20 = vector.load %arg7[%get3A_18, %get3A_19] : memref<64x64xf32, #tpu.memory_space<vmem>>, vector<64x64xf32>
    %dot_general3A_21 = arith.constant dense<0.000000e+00> : vector<256x64xf32>
    %dot_general3A_22 = tpu.matmul %get3A_3, %get3A_20, %dot_general3A_21 {dimension_numbers = #tpu.dot_dimension_numbers<[1], [0], [0], [1], [0, 0, 1, 1], [], []>, precision = #tpu.contract_precision<fp32>, transpose_lhs_hint = false} : vector<256x64xf32>, vector<64x64xf32>, vector<256x64xf32> -> vector<256x64xf32>
    %get3A_23 = arith.constant 0 : index
    %get3A_24 = arith.constant 0 : index
    %get3A_25 = vector.load %arg8[%get3A_23, %get3A_24] : memref<1x64xf32, #tpu.memory_space<vmem>>, vector<1x64xf32>
    %add3A = vector.broadcast %get3A_25 : vector<1x64xf32> to vector<256x64xf32>
    %add3A_26 = arith.addf %dot_general3A_22, %add3A : vector<256x64xf32>
    %swap3A_27 = arith.constant 0 : index
    %swap3A_28 = arith.constant 0 : index
    %swap3A_29 = arith.constant 0 : index
    %swap3A_30 = vector.load %arg11[%swap3A_27, %swap3A_28, %swap3A_29] : memref<1x256x64xf32, #tpu.memory_space<vmem>>, vector<1x256x64xf32>
    %swap3A_31 = vector.shape_cast %swap3A_30 : vector<1x256x64xf32> to vector<256x64xf32>
    %swap3A_32 = vector.shape_cast %add3A_26 : vector<256x64xf32> to vector<1x256x64xf32>
    tpu.vector_store %arg11[%swap3A_27, %swap3A_28, %swap3A_29], %swap3A_32 {strides = array<i32>} : memref<1x256x64xf32, #tpu.memory_space<vmem>>, vector<1x256x64xf32>,
    %dot_general3A_33 = arith.constant dense<0.000000e+00> : vector<256x4096xf32>
    %dot_general3A_34 = tpu.matmul %get3A_3, %get3A_8, %dot_general3A_33 {dimension_numbers = #tpu.dot_dimension_numbers<[1], [0], [0], [1], [0, 0, 1, 1], [], []>, transpose_lhs_hint = false} : vector<256x64xf32>, vector<64x4096xf32>, vector<256x4096xf32> -> vector<256x4096xf32>
    %mul3A = arith.constant 2.000000e+00 : f32
    %mul3A_35 = vector.broadcast %mul3A : f32 to vector<256x4096xf32>
    %mul3A_36 = arith.mulf %mul3A_35, %dot_general3A_34 : vector<256x4096xf32>
    %get3A_37 = arith.constant 0 : index
    %get3A_38 = arith.constant 0 : index
    %get3A_39 = arith.constant 0 : index
    %get3A_40 = vector.load %arg4[%get3A_37, %get3A_38, %get3A_39] : memref<1x256x1xf32, #tpu.memory_space<vmem>>, vector<1x256x1xf32>
    %get3A_41 = vector.shape_cast %get3A_40 : vector<1x256x1xf32> to vector<256x1xf32>
    %sub3A = vector.broadcast %get3A_41 : vector<256x1xf32> to vector<256x4096xf32>
    %sub3A_42 = arith.subf %mul3A_36, %sub3A : vector<256x4096xf32>
    %get3A_43 = arith.constant 0 : index
    %get3A_44 = arith.constant 0 : index
    %get3A_45 = arith.constant 0 : index
    %get3A_46 = vector.load %arg5[%get3A_43, %get3A_44, %get3A_45] : memref<1x1x4096xf32, #tpu.memory_space<vmem>>, vector<1x1x4096xf32>
    %get3A_47 = vector.shape_cast %get3A_46 : vector<1x1x4096xf32> to vector<1x4096xf32>
    %sub3A_48 = vector.broadcast %get3A_47 : vector<1x4096xf32> to vector<256x4096xf32>
    %sub3A_49 = arith.subf %sub3A_42, %sub3A_48 : vector<256x4096xf32>
    %slice3A = vector.extract_strided_slice %sub3A_49 {offsets = [0, 0], sizes = [256, 2048], strides = [1, 1]} : vector<256x4096xf32> to vector<256x2048xf32>
    %slice3A_50 = vector.extract_strided_slice %sub3A_49 {offsets = [0, 2048], sizes = [256, 2048], strides = [1, 1]} : vector<256x4096xf32> to vector<256x2048xf32>
    %ge3A = arith.cmpf oge, %slice3A, %slice3A_50 : vector<256x2048xf32>
    %select_n3A = arith.select %ge3A, %slice3A, %slice3A_50 : vector<256x2048xi1>, vector<256x2048xf32>
    %select_n3A_51 = arith.select %ge3A, %slice3A_50, %slice3A : vector<256x2048xi1>, vector<256x2048xf32>
    %iota3A = tpu.iota {dimensions = array<i32: 1>} : vector<256x2048xi32>
    %convert_element_type3A = arith.sitofp %iota3A : vector<256x2048xi32> to vector<256x2048xf32>
    %add3A_52 = arith.constant 2.048000e+03 : f32
    %add3A_53 = vector.broadcast %add3A_52 : f32 to vector<256x2048xf32>
    %add3A_54 = arith.addf %convert_element_type3A, %add3A_53 : vector<256x2048xf32>
    %select_n3A_55 = arith.select %ge3A, %convert_element_type3A, %add3A_54 : vector<256x2048xi1>, vector<256x2048xf32>
    %select_n3A_56 = arith.select %ge3A, %add3A_54, %convert_element_type3A : vector<256x2048xi1>, vector<256x2048xf32>
    %reduce_max3A = arith.constant dense<0xFF800000> : vector<256xf32>
    %reduce_max3A_57 = vector.multi_reduction <maximumf>, %select_n3A, %reduce_max3A [1] : vector<256x2048xf32> to vector<256xf32>
    %broadcast_in_dim3A = vector.shape_cast %reduce_max3A_57 : vector<256xf32> to vector<256x1xf32>
    %eq3A = vector.broadcast %broadcast_in_dim3A : vector<256x1xf32> to vector<256x2048xf32>
    %eq3A_58 = arith.cmpf oeq, %select_n3A, %eq3A : vector<256x2048xf32>
    %jit3A = arith.constant 4.096000e+03 : f32
    %broadcast_in_dim3A_59 = vector.broadcast %jit3A : f32 to vector<256x2048xf32>
    %select_n3A_60 = arith.select %eq3A_58, %select_n3A_55, %broadcast_in_dim3A_59 : vector<256x2048xi1>, vector<256x2048xf32>
    %reduce_min3A = arith.constant dense<0x7F800000> : vector<256xf32>
    %reduce_min3A_61 = vector.multi_reduction <minimumf>, %select_n3A_60, %reduce_min3A [1] : vector<256x2048xf32> to vector<256xf32>
    %broadcast_in_dim3A_62 = vector.shape_cast %reduce_min3A_61 : vector<256xf32> to vector<256x1xf32>
    %ge3A_63 = arith.constant 2.048000e+03 : f32
    %ge3A_64 = vector.broadcast %ge3A_63 : f32 to vector<256x1xf32>
    %ge3A_65 = arith.cmpf oge, %broadcast_in_dim3A_62, %ge3A_64 : vector<256x1xf32>
    %sub3A_66 = arith.constant 2.048000e+03 : f32
    %sub3A_67 = vector.broadcast %sub3A_66 : f32 to vector<256x1xf32>
    %sub3A_68 = arith.subf %broadcast_in_dim3A_62, %sub3A_67 : vector<256x1xf32>
    %select_n3A_69 = arith.select %ge3A_65, %sub3A_68, %broadcast_in_dim3A_62 : vector<256x1xi1>, vector<256x1xf32>
    %eq3A_70 = vector.broadcast %select_n3A_69 : vector<256x1xf32> to vector<256x2048xf32>
    %eq3A_71 = arith.cmpf oeq, %convert_element_type3A, %eq3A_70 : vector<256x2048xf32>
    %select_n3A_72 = arith.select %eq3A_71, %select_n3A_51, %select_n3A : vector<256x2048xi1>, vector<256x2048xf32>
    %select_n3A_73 = arith.select %eq3A_71, %select_n3A_56, %select_n3A_55 : vector<256x2048xi1>, vector<256x2048xf32>
    %jit3A_74 = arith.constant 0xFF800000 : f32
    %broadcast_in_dim3A_75 = vector.broadcast %jit3A_74 : f32 to vector<256x2048xf32>
    %select_n3A_76 = arith.select %eq3A_71, %broadcast_in_dim3A_75, %select_n3A_51 : vector<256x2048xi1>, vector<256x2048xf32>
    %reduce_max3A_77 = arith.constant dense<0xFF800000> : vector<256xf32>
    %reduce_max3A_78 = vector.multi_reduction <maximumf>, %select_n3A_72, %reduce_max3A_77 [1] : vector<256x2048xf32> to vector<256xf32>
    %broadcast_in_dim3A_79 = vector.shape_cast %reduce_max3A_78 : vector<256xf32> to vector<256x1xf32>
    %eq3A_80 = vector.broadcast %broadcast_in_dim3A_79 : vector<256x1xf32> to vector<256x2048xf32>
    %eq3A_81 = arith.cmpf oeq, %select_n3A_72, %eq3A_80 : vector<256x2048xf32>
    %jit3A_82 = arith.constant 4.096000e+03 : f32
    %broadcast_in_dim3A_83 = vector.broadcast %jit3A_82 : f32 to vector<256x2048xf32>
    %select_n3A_84 = arith.select %eq3A_81, %select_n3A_73, %broadcast_in_dim3A_83 : vector<256x2048xi1>, vector<256x2048xf32>
    %reduce_min3A_85 = arith.constant dense<0x7F800000> : vector<256xf32>
    %reduce_min3A_86 = vector.multi_reduction <minimumf>, %select_n3A_84, %reduce_min3A_85 [1] : vector<256x2048xf32> to vector<256xf32>
    %broadcast_in_dim3A_87 = vector.shape_cast %reduce_min3A_86 : vector<256xf32> to vector<256x1xf32>
    %ge3A_88 = arith.constant 2.048000e+03 : f32
    %ge3A_89 = vector.broadcast %ge3A_88 : f32 to vector<256x1xf32>
    %ge3A_90 = arith.cmpf oge, %broadcast_in_dim3A_87, %ge3A_89 : vector<256x1xf32>
    %sub3A_91 = arith.constant 2.048000e+03 : f32
    %sub3A_92 = vector.broadcast %sub3A_91 : f32 to vector<256x1xf32>
    %sub3A_93 = arith.subf %broadcast_in_dim3A_87, %sub3A_92 : vector<256x1xf32>
    %select_n3A_94 = arith.select %ge3A_90, %sub3A_93, %broadcast_in_dim3A_87 : vector<256x1xi1>, vector<256x1xf32>
    %eq3A_95 = vector.broadcast %select_n3A_94 : vector<256x1xf32> to vector<256x2048xf32>
    %eq3A_96 = arith.cmpf oeq, %convert_element_type3A, %eq3A_95 : vector<256x2048xf32>
    %select_n3A_97 = arith.select %eq3A_96, %select_n3A_76, %select_n3A_72 : vector<256x2048xi1>, vector<256x2048xf32>
    %select_n3A_98 = arith.select %eq3A_96, %select_n3A_56, %select_n3A_73 : vector<256x2048xi1>, vector<256x2048xf32>
    %jit3A_99 = arith.constant 0xFF800000 : f32
    %broadcast_in_dim3A_100 = vector.broadcast %jit3A_99 : f32 to vector<256x2048xf32>
    %select_n3A_101 = arith.select %eq3A_96, %broadcast_in_dim3A_100, %select_n3A_76 : vector<256x2048xi1>, vector<256x2048xf32>
    %reduce_max3A_102 = arith.constant dense<0xFF800000> : vector<256xf32>
    %reduce_max3A_103 = vector.multi_reduction <maximumf>, %select_n3A_97, %reduce_max3A_102 [1] : vector<256x2048xf32> to vector<256xf32>
    %broadcast_in_dim3A_104 = vector.shape_cast %reduce_max3A_103 : vector<256xf32> to vector<256x1xf32>
    %eq3A_105 = vector.broadcast %broadcast_in_dim3A_104 : vector<256x1xf32> to vector<256x2048xf32>
    %eq3A_106 = arith.cmpf oeq, %select_n3A_97, %eq3A_105 : vector<256x2048xf32>
    %jit3A_107 = arith.constant 4.096000e+03 : f32
    %broadcast_in_dim3A_108 = vector.broadcast %jit3A_107 : f32 to vector<256x2048xf32>
    %select_n3A_109 = arith.select %eq3A_106, %select_n3A_98, %broadcast_in_dim3A_108 : vector<256x2048xi1>, vector<256x2048xf32>
    %reduce_min3A_110 = arith.constant dense<0x7F800000> : vector<256xf32>
    %reduce_min3A_111 = vector.multi_reduction <minimumf>, %select_n3A_109, %reduce_min3A_110 [1] : vector<256x2048xf32> to vector<256xf32>
    %broadcast_in_dim3A_112 = vector.shape_cast %reduce_min3A_111 : vector<256xf32> to vector<256x1xf32>
    %ge3A_113 = arith.constant 2.048000e+03 : f32
    %ge3A_114 = vector.broadcast %ge3A_113 : f32 to vector<256x1xf32>
    %ge3A_115 = arith.cmpf oge, %broadcast_in_dim3A_112, %ge3A_114 : vector<256x1xf32>
    %sub3A_116 = arith.constant 2.048000e+03 : f32
    %sub3A_117 = vector.broadcast %sub3A_116 : f32 to vector<256x1xf32>
    %sub3A_118 = arith.subf %broadcast_in_dim3A_112, %sub3A_117 : vector<256x1xf32>
    %select_n3A_119 = arith.select %ge3A_115, %sub3A_118, %broadcast_in_dim3A_112 : vector<256x1xi1>, vector<256x1xf32>
    %eq3A_120 = vector.broadcast %select_n3A_119 : vector<256x1xf32> to vector<256x2048xf32>
    %eq3A_121 = arith.cmpf oeq, %convert_element_type3A, %eq3A_120 : vector<256x2048xf32>
    %select_n3A_122 = arith.select %eq3A_121, %select_n3A_101, %select_n3A_97 : vector<256x2048xi1>, vector<256x2048xf32>
    %select_n3A_123 = arith.select %eq3A_121, %select_n3A_56, %select_n3A_98 : vector<256x2048xi1>, vector<256x2048xf32>
    %jit3A_124 = arith.constant 0xFF800000 : f32
    %broadcast_in_dim3A_125 = vector.broadcast %jit3A_124 : f32 to vector<256x2048xf32>
    %select_n3A_126 = arith.select %eq3A_121, %broadcast_in_dim3A_125, %select_n3A_101 : vector<256x2048xi1>, vector<256x2048xf32>
    %reduce_max3A_127 = arith.constant dense<0xFF800000> : vector<256xf32>
    %reduce_max3A_128 = vector.multi_reduction <maximumf>, %select_n3A_122, %reduce_max3A_127 [1] : vector<256x2048xf32> to vector<256xf32>
    %broadcast_in_dim3A_129 = vector.shape_cast %reduce_max3A_128 : vector<256xf32> to vector<256x1xf32>
    %eq3A_130 = vector.broadcast %broadcast_in_dim3A_129 : vector<256x1xf32> to vector<256x2048xf32>
    %eq3A_131 = arith.cmpf oeq, %select_n3A_122, %eq3A_130 : vector<256x2048xf32>
    %jit3A_132 = arith.constant 4.096000e+03 : f32
    %broadcast_in_dim3A_133 = vector.broadcast %jit3A_132 : f32 to vector<256x2048xf32>
    %select_n3A_134 = arith.select %eq3A_131, %select_n3A_123, %broadcast_in_dim3A_133 : vector<256x2048xi1>, vector<256x2048xf32>
    %reduce_min3A_135 = arith.constant dense<0x7F800000> : vector<256xf32>
    %reduce_min3A_136 = vector.multi_reduction <minimumf>, %select_n3A_134, %reduce_min3A_135 [1] : vector<256x2048xf32> to vector<256xf32>
    %broadcast_in_dim3A_137 = vector.shape_cast %reduce_min3A_136 : vector<256xf32> to vector<256x1xf32>
    %ge3A_138 = arith.constant 2.048000e+03 : f32
    %ge3A_139 = vector.broadcast %ge3A_138 : f32 to vector<256x1xf32>
    %ge3A_140 = arith.cmpf oge, %broadcast_in_dim3A_137, %ge3A_139 : vector<256x1xf32>
    %sub3A_141 = arith.constant 2.048000e+03 : f32
    %sub3A_142 = vector.broadcast %sub3A_141 : f32 to vector<256x1xf32>
    %sub3A_143 = arith.subf %broadcast_in_dim3A_137, %sub3A_142 : vector<256x1xf32>
    %select_n3A_144 = arith.select %ge3A_140, %sub3A_143, %broadcast_in_dim3A_137 : vector<256x1xi1>, vector<256x1xf32>
    %eq3A_145 = vector.broadcast %select_n3A_144 : vector<256x1xf32> to vector<256x2048xf32>
    %eq3A_146 = arith.cmpf oeq, %convert_element_type3A, %eq3A_145 : vector<256x2048xf32>
    %select_n3A_147 = arith.select %eq3A_146, %select_n3A_126, %select_n3A_122 : vector<256x2048xi1>, vector<256x2048xf32>
    %select_n3A_148 = arith.select %eq3A_146, %select_n3A_56, %select_n3A_123 : vector<256x2048xi1>, vector<256x2048xf32>
    %jit3A_149 = arith.constant 0xFF800000 : f32
    %broadcast_in_dim3A_150 = vector.broadcast %jit3A_149 : f32 to vector<256x2048xf32>
    %select_n3A_151 = arith.select %eq3A_146, %broadcast_in_dim3A_150, %select_n3A_126 : vector<256x2048xi1>, vector<256x2048xf32>
    %reduce_max3A_152 = arith.constant dense<0xFF800000> : vector<256xf32>
    %reduce_max3A_153 = vector.multi_reduction <maximumf>, %select_n3A_147, %reduce_max3A_152 [1] : vector<256x2048xf32> to vector<256xf32>
    %broadcast_in_dim3A_154 = vector.shape_cast %reduce_max3A_153 : vector<256xf32> to vector<256x1xf32>
    %eq3A_155 = vector.broadcast %broadcast_in_dim3A_154 : vector<256x1xf32> to vector<256x2048xf32>
    %eq3A_156 = arith.cmpf oeq, %select_n3A_147, %eq3A_155 : vector<256x2048xf32>
    %jit3A_157 = arith.constant 4.096000e+03 : f32
    %broadcast_in_dim3A_158 = vector.broadcast %jit3A_157 : f32 to vector<256x2048xf32>
    %select_n3A_159 = arith.select %eq3A_156, %select_n3A_148, %broadcast_in_dim3A_158 : vector<256x2048xi1>, vector<256x2048xf32>
    %reduce_min3A_160 = arith.constant dense<0x7F800000> : vector<256xf32>
    %reduce_min3A_161 = vector.multi_reduction <minimumf>, %select_n3A_159, %reduce_min3A_160 [1] : vector<256x2048xf32> to vector<256xf32>
    %broadcast_in_dim3A_162 = vector.shape_cast %reduce_min3A_161 : vector<256xf32> to vector<256x1xf32>
    %ge3A_163 = arith.constant 2.048000e+03 : f32
    %ge3A_164 = vector.broadcast %ge3A_163 : f32 to vector<256x1xf32>
    %ge3A_165 = arith.cmpf oge, %broadcast_in_dim3A_162, %ge3A_164 : vector<256x1xf32>
    %sub3A_166 = arith.constant 2.048000e+03 : f32
    %sub3A_167 = vector.broadcast %sub3A_166 : f32 to vector<256x1xf32>
    %sub3A_168 = arith.subf %broadcast_in_dim3A_162, %sub3A_167 : vector<256x1xf32>
    %select_n3A_169 = arith.select %ge3A_165, %sub3A_168, %broadcast_in_dim3A_162 : vector<256x1xi1>, vector<256x1xf32>
    %eq3A_170 = vector.broadcast %select_n3A_169 : vector<256x1xf32> to vector<256x2048xf32>
    %eq3A_171 = arith.cmpf oeq, %convert_element_type3A, %eq3A_170 : vector<256x2048xf32>
    %select_n3A_172 = arith.select %eq3A_171, %select_n3A_151, %select_n3A_147 : vector<256x2048xi1>, vector<256x2048xf32>
    %select_n3A_173 = arith.select %eq3A_171, %select_n3A_56, %select_n3A_148 : vector<256x2048xi1>, vector<256x2048xf32>
    %jit3A_174 = arith.constant 0xFF800000 : f32
    %broadcast_in_dim3A_175 = vector.broadcast %jit3A_174 : f32 to vector<256x2048xf32>
    %select_n3A_176 = arith.select %eq3A_171, %broadcast_in_dim3A_175, %select_n3A_151 : vector<256x2048xi1>, vector<256x2048xf32>
    %reduce_max3A_177 = arith.constant dense<0xFF800000> : vector<256xf32>
    %reduce_max3A_178 = vector.multi_reduction <maximumf>, %select_n3A_172, %reduce_max3A_177 [1] : vector<256x2048xf32> to vector<256xf32>
    %broadcast_in_dim3A_179 = vector.shape_cast %reduce_max3A_178 : vector<256xf32> to vector<256x1xf32>
    %eq3A_180 = vector.broadcast %broadcast_in_dim3A_179 : vector<256x1xf32> to vector<256x2048xf32>
    %eq3A_181 = arith.cmpf oeq, %select_n3A_172, %eq3A_180 : vector<256x2048xf32>
    %jit3A_182 = arith.constant 4.096000e+03 : f32
    %broadcast_in_dim3A_183 = vector.broadcast %jit3A_182 : f32 to vector<256x2048xf32>
    %select_n3A_184 = arith.select %eq3A_181, %select_n3A_173, %broadcast_in_dim3A_183 : vector<256x2048xi1>, vector<256x2048xf32>
    %reduce_min3A_185 = arith.constant dense<0x7F800000> : vector<256xf32>
    %reduce_min3A_186 = vector.multi_reduction <minimumf>, %select_n3A_184, %reduce_min3A_185 [1] : vector<256x2048xf32> to vector<256xf32>
    %broadcast_in_dim3A_187 = vector.shape_cast %reduce_min3A_186 : vector<256xf32> to vector<256x1xf32>
    %ge3A_188 = arith.constant 2.048000e+03 : f32
    %ge3A_189 = vector.broadcast %ge3A_188 : f32 to vector<256x1xf32>
    %ge3A_190 = arith.cmpf oge, %broadcast_in_dim3A_187, %ge3A_189 : vector<256x1xf32>
    %sub3A_191 = arith.constant 2.048000e+03 : f32
    %sub3A_192 = vector.broadcast %sub3A_191 : f32 to vector<256x1xf32>
    %sub3A_193 = arith.subf %broadcast_in_dim3A_187, %sub3A_192 : vector<256x1xf32>
    %select_n3A_194 = arith.select %ge3A_190, %sub3A_193, %broadcast_in_dim3A_187 : vector<256x1xi1>, vector<256x1xf32>
    %eq3A_195 = vector.broadcast %select_n3A_194 : vector<256x1xf32> to vector<256x2048xf32>
    %eq3A_196 = arith.cmpf oeq, %convert_element_type3A, %eq3A_195 : vector<256x2048xf32>
    %select_n3A_197 = arith.select %eq3A_196, %select_n3A_176, %select_n3A_172 : vector<256x2048xi1>, vector<256x2048xf32>
    %select_n3A_198 = arith.select %eq3A_196, %select_n3A_56, %select_n3A_173 : vector<256x2048xi1>, vector<256x2048xf32>
    %jit3A_199 = arith.constant 0xFF800000 : f32
    %broadcast_in_dim3A_200 = vector.broadcast %jit3A_199 : f32 to vector<256x2048xf32>
    %select_n3A_201 = arith.select %eq3A_196, %broadcast_in_dim3A_200, %select_n3A_176 : vector<256x2048xi1>, vector<256x2048xf32>
    %reduce_max3A_202 = arith.constant dense<0xFF800000> : vector<256xf32>
    %reduce_max3A_203 = vector.multi_reduction <maximumf>, %select_n3A_197, %reduce_max3A_202 [1] : vector<256x2048xf32> to vector<256xf32>
    %broadcast_in_dim3A_204 = vector.shape_cast %reduce_max3A_203 : vector<256xf32> to vector<256x1xf32>
    %eq3A_205 = vector.broadcast %broadcast_in_dim3A_204 : vector<256x1xf32> to vector<256x2048xf32>
    %eq3A_206 = arith.cmpf oeq, %select_n3A_197, %eq3A_205 : vector<256x2048xf32>
    %jit3A_207 = arith.constant 4.096000e+03 : f32
    %broadcast_in_dim3A_208 = vector.broadcast %jit3A_207 : f32 to vector<256x2048xf32>
    %select_n3A_209 = arith.select %eq3A_206, %select_n3A_198, %broadcast_in_dim3A_208 : vector<256x2048xi1>, vector<256x2048xf32>
    %reduce_min3A_210 = arith.constant dense<0x7F800000> : vector<256xf32>
    %reduce_min3A_211 = vector.multi_reduction <minimumf>, %select_n3A_209, %reduce_min3A_210 [1] : vector<256x2048xf32> to vector<256xf32>
    %broadcast_in_dim3A_212 = vector.shape_cast %reduce_min3A_211 : vector<256xf32> to vector<256x1xf32>
    %ge3A_213 = arith.constant 2.048000e+03 : f32
    %ge3A_214 = vector.broadcast %ge3A_213 : f32 to vector<256x1xf32>
    %ge3A_215 = arith.cmpf oge, %broadcast_in_dim3A_212, %ge3A_214 : vector<256x1xf32>
    %sub3A_216 = arith.constant 2.048000e+03 : f32
    %sub3A_217 = vector.broadcast %sub3A_216 : f32 to vector<256x1xf32>
    %sub3A_218 = arith.subf %broadcast_in_dim3A_212, %sub3A_217 : vector<256x1xf32>
    %select_n3A_219 = arith.select %ge3A_215, %sub3A_218, %broadcast_in_dim3A_212 : vector<256x1xi1>, vector<256x1xf32>
    %eq3A_220 = vector.broadcast %select_n3A_219 : vector<256x1xf32> to vector<256x2048xf32>
    %eq3A_221 = arith.cmpf oeq, %convert_element_type3A, %eq3A_220 : vector<256x2048xf32>
    %select_n3A_222 = arith.select %eq3A_221, %select_n3A_201, %select_n3A_197 : vector<256x2048xi1>, vector<256x2048xf32>
    %select_n3A_223 = arith.select %eq3A_221, %select_n3A_56, %select_n3A_198 : vector<256x2048xi1>, vector<256x2048xf32>
    %jit3A_224 = arith.constant 0xFF800000 : f32
    %broadcast_in_dim3A_225 = vector.broadcast %jit3A_224 : f32 to vector<256x2048xf32>
    %select_n3A_226 = arith.select %eq3A_221, %broadcast_in_dim3A_225, %select_n3A_201 : vector<256x2048xi1>, vector<256x2048xf32>
    %reduce_max3A_227 = arith.constant dense<0xFF800000> : vector<256xf32>
    %reduce_max3A_228 = vector.multi_reduction <maximumf>, %select_n3A_222, %reduce_max3A_227 [1] : vector<256x2048xf32> to vector<256xf32>
    %broadcast_in_dim3A_229 = vector.shape_cast %reduce_max3A_228 : vector<256xf32> to vector<256x1xf32>
    %eq3A_230 = vector.broadcast %broadcast_in_dim3A_229 : vector<256x1xf32> to vector<256x2048xf32>
    %eq3A_231 = arith.cmpf oeq, %select_n3A_222, %eq3A_230 : vector<256x2048xf32>
    %jit3A_232 = arith.constant 4.096000e+03 : f32
    %broadcast_in_dim3A_233 = vector.broadcast %jit3A_232 : f32 to vector<256x2048xf32>
    %select_n3A_234 = arith.select %eq3A_231, %select_n3A_223, %broadcast_in_dim3A_233 : vector<256x2048xi1>, vector<256x2048xf32>
    %reduce_min3A_235 = arith.constant dense<0x7F800000> : vector<256xf32>
    %reduce_min3A_236 = vector.multi_reduction <minimumf>, %select_n3A_234, %reduce_min3A_235 [1] : vector<256x2048xf32> to vector<256xf32>
    %broadcast_in_dim3A_237 = vector.shape_cast %reduce_min3A_236 : vector<256xf32> to vector<256x1xf32>
    %ge3A_238 = arith.constant 2.048000e+03 : f32
    %ge3A_239 = vector.broadcast %ge3A_238 : f32 to vector<256x1xf32>
    %ge3A_240 = arith.cmpf oge, %broadcast_in_dim3A_237, %ge3A_239 : vector<256x1xf32>
    %sub3A_241 = arith.constant 2.048000e+03 : f32
    %sub3A_242 = vector.broadcast %sub3A_241 : f32 to vector<256x1xf32>
    %sub3A_243 = arith.subf %broadcast_in_dim3A_237, %sub3A_242 : vector<256x1xf32>
    %select_n3A_244 = arith.select %ge3A_240, %sub3A_243, %broadcast_in_dim3A_237 : vector<256x1xi1>, vector<256x1xf32>
    %eq3A_245 = vector.broadcast %select_n3A_244 : vector<256x1xf32> to vector<256x2048xf32>
    %eq3A_246 = arith.cmpf oeq, %convert_element_type3A, %eq3A_245 : vector<256x2048xf32>
    %select_n3A_247 = arith.select %eq3A_246, %select_n3A_226, %select_n3A_222 : vector<256x2048xi1>, vector<256x2048xf32>
    %select_n3A_248 = arith.select %eq3A_246, %select_n3A_56, %select_n3A_223 : vector<256x2048xi1>, vector<256x2048xf32>
    %jit3A_249 = arith.constant 0xFF800000 : f32
    %broadcast_in_dim3A_250 = vector.broadcast %jit3A_249 : f32 to vector<256x2048xf32>
    %select_n3A_251 = arith.select %eq3A_246, %broadcast_in_dim3A_250, %select_n3A_226 : vector<256x2048xi1>, vector<256x2048xf32>
    %reduce_max3A_252 = arith.constant dense<0xFF800000> : vector<256xf32>
    %reduce_max3A_253 = vector.multi_reduction <maximumf>, %select_n3A_247, %reduce_max3A_252 [1] : vector<256x2048xf32> to vector<256xf32>
    %broadcast_in_dim3A_254 = vector.shape_cast %reduce_max3A_253 : vector<256xf32> to vector<256x1xf32>
    %eq3A_255 = vector.broadcast %broadcast_in_dim3A_254 : vector<256x1xf32> to vector<256x2048xf32>
    %eq3A_256 = arith.cmpf oeq, %select_n3A_247, %eq3A_255 : vector<256x2048xf32>
    %jit3A_257 = arith.constant 4.096000e+03 : f32
    %broadcast_in_dim3A_258 = vector.broadcast %jit3A_257 : f32 to vector<256x2048xf32>
    %select_n3A_259 = arith.select %eq3A_256, %select_n3A_248, %broadcast_in_dim3A_258 : vector<256x2048xi1>, vector<256x2048xf32>
    %reduce_min3A_260 = arith.constant dense<0x7F800000> : vector<256xf32>
    %reduce_min3A_261 = vector.multi_reduction <minimumf>, %select_n3A_259, %reduce_min3A_260 [1] : vector<256x2048xf32> to vector<256xf32>
    %broadcast_in_dim3A_262 = vector.shape_cast %reduce_min3A_261 : vector<256xf32> to vector<256x1xf32>
    %ge3A_263 = arith.constant 2.048000e+03 : f32
    %ge3A_264 = vector.broadcast %ge3A_263 : f32 to vector<256x1xf32>
    %ge3A_265 = arith.cmpf oge, %broadcast_in_dim3A_262, %ge3A_264 : vector<256x1xf32>
    %sub3A_266 = arith.constant 2.048000e+03 : f32
    %sub3A_267 = vector.broadcast %sub3A_266 : f32 to vector<256x1xf32>
    %sub3A_268 = arith.subf %broadcast_in_dim3A_262, %sub3A_267 : vector<256x1xf32>
    %select_n3A_269 = arith.select %ge3A_265, %sub3A_268, %broadcast_in_dim3A_262 : vector<256x1xi1>, vector<256x1xf32>
    %eq3A_270 = vector.broadcast %select_n3A_269 : vector<256x1xf32> to vector<256x2048xf32>
    %eq3A_271 = arith.cmpf oeq, %convert_element_type3A, %eq3A_270 : vector<256x2048xf32>
    %select_n3A_272 = arith.select %eq3A_271, %select_n3A_251, %select_n3A_247 : vector<256x2048xi1>, vector<256x2048xf32>
    %select_n3A_273 = arith.select %eq3A_271, %select_n3A_56, %select_n3A_248 : vector<256x2048xi1>, vector<256x2048xf32>
    %jit3A_274 = arith.constant 0xFF800000 : f32
    %broadcast_in_dim3A_275 = vector.broadcast %jit3A_274 : f32 to vector<256x2048xf32>
    %select_n3A_276 = arith.select %eq3A_271, %broadcast_in_dim3A_275, %select_n3A_251 : vector<256x2048xi1>, vector<256x2048xf32>
    %reduce_max3A_277 = arith.constant dense<0xFF800000> : vector<256xf32>
    %reduce_max3A_278 = vector.multi_reduction <maximumf>, %select_n3A_272, %reduce_max3A_277 [1] : vector<256x2048xf32> to vector<256xf32>
    %broadcast_in_dim3A_279 = vector.shape_cast %reduce_max3A_278 : vector<256xf32> to vector<256x1xf32>
    %eq3A_280 = vector.broadcast %broadcast_in_dim3A_279 : vector<256x1xf32> to vector<256x2048xf32>
    %eq3A_281 = arith.cmpf oeq, %select_n3A_272, %eq3A_280 : vector<256x2048xf32>
    %jit3A_282 = arith.constant 4.096000e+03 : f32
    %broadcast_in_dim3A_283 = vector.broadcast %jit3A_282 : f32 to vector<256x2048xf32>
    %select_n3A_284 = arith.select %eq3A_281, %select_n3A_273, %broadcast_in_dim3A_283 : vector<256x2048xi1>, vector<256x2048xf32>
    %reduce_min3A_285 = arith.constant dense<0x7F800000> : vector<256xf32>
    %reduce_min3A_286 = vector.multi_reduction <minimumf>, %select_n3A_284, %reduce_min3A_285 [1] : vector<256x2048xf32> to vector<256xf32>
    %broadcast_in_dim3A_287 = vector.shape_cast %reduce_min3A_286 : vector<256xf32> to vector<256x1xf32>
    %ge3A_288 = arith.constant 2.048000e+03 : f32
    %ge3A_289 = vector.broadcast %ge3A_288 : f32 to vector<256x1xf32>
    %ge3A_290 = arith.cmpf oge, %broadcast_in_dim3A_287, %ge3A_289 : vector<256x1xf32>
    %sub3A_291 = arith.constant 2.048000e+03 : f32
    %sub3A_292 = vector.broadcast %sub3A_291 : f32 to vector<256x1xf32>
    %sub3A_293 = arith.subf %broadcast_in_dim3A_287, %sub3A_292 : vector<256x1xf32>
    %select_n3A_294 = arith.select %ge3A_290, %sub3A_293, %broadcast_in_dim3A_287 : vector<256x1xi1>, vector<256x1xf32>
    %eq3A_295 = vector.broadcast %select_n3A_294 : vector<256x1xf32> to vector<256x2048xf32>
    %eq3A_296 = arith.cmpf oeq, %convert_element_type3A, %eq3A_295 : vector<256x2048xf32>
    %select_n3A_297 = arith.select %eq3A_296, %select_n3A_276, %select_n3A_272 : vector<256x2048xi1>, vector<256x2048xf32>
    %select_n3A_298 = arith.select %eq3A_296, %select_n3A_56, %select_n3A_273 : vector<256x2048xi1>, vector<256x2048xf32>
    %jit3A_299 = arith.constant 0xFF800000 : f32
    %broadcast_in_dim3A_300 = vector.broadcast %jit3A_299 : f32 to vector<256x2048xf32>
    %select_n3A_301 = arith.select %eq3A_296, %broadcast_in_dim3A_300, %select_n3A_276 : vector<256x2048xi1>, vector<256x2048xf32>
    %reduce_max3A_302 = arith.constant dense<0xFF800000> : vector<256xf32>
    %reduce_max3A_303 = vector.multi_reduction <maximumf>, %select_n3A_297, %reduce_max3A_302 [1] : vector<256x2048xf32> to vector<256xf32>
    %broadcast_in_dim3A_304 = vector.shape_cast %reduce_max3A_303 : vector<256xf32> to vector<256x1xf32>
    %eq3A_305 = vector.broadcast %broadcast_in_dim3A_304 : vector<256x1xf32> to vector<256x2048xf32>
    %eq3A_306 = arith.cmpf oeq, %select_n3A_297, %eq3A_305 : vector<256x2048xf32>
    %jit3A_307 = arith.constant 4.096000e+03 : f32
    %broadcast_in_dim3A_308 = vector.broadcast %jit3A_307 : f32 to vector<256x2048xf32>
    %select_n3A_309 = arith.select %eq3A_306, %select_n3A_298, %broadcast_in_dim3A_308 : vector<256x2048xi1>, vector<256x2048xf32>
    %reduce_min3A_310 = arith.constant dense<0x7F800000> : vector<256xf32>
    %reduce_min3A_311 = vector.multi_reduction <minimumf>, %select_n3A_309, %reduce_min3A_310 [1] : vector<256x2048xf32> to vector<256xf32>
    %broadcast_in_dim3A_312 = vector.shape_cast %reduce_min3A_311 : vector<256xf32> to vector<256x1xf32>
    %ge3A_313 = arith.constant 2.048000e+03 : f32
    %ge3A_314 = vector.broadcast %ge3A_313 : f32 to vector<256x1xf32>
    %ge3A_315 = arith.cmpf oge, %broadcast_in_dim3A_312, %ge3A_314 : vector<256x1xf32>
    %sub3A_316 = arith.constant 2.048000e+03 : f32
    %sub3A_317 = vector.broadcast %sub3A_316 : f32 to vector<256x1xf32>
    %sub3A_318 = arith.subf %broadcast_in_dim3A_312, %sub3A_317 : vector<256x1xf32>
    %select_n3A_319 = arith.select %ge3A_315, %sub3A_318, %broadcast_in_dim3A_312 : vector<256x1xi1>, vector<256x1xf32>
    %eq3A_320 = vector.broadcast %select_n3A_319 : vector<256x1xf32> to vector<256x2048xf32>
    %eq3A_321 = arith.cmpf oeq, %convert_element_type3A, %eq3A_320 : vector<256x2048xf32>
    %select_n3A_322 = arith.select %eq3A_321, %select_n3A_301, %select_n3A_297 : vector<256x2048xi1>, vector<256x2048xf32>
    %select_n3A_323 = arith.select %eq3A_321, %select_n3A_56, %select_n3A_298 : vector<256x2048xi1>, vector<256x2048xf32>
    %jit3A_324 = arith.constant 0xFF800000 : f32
    %broadcast_in_dim3A_325 = vector.broadcast %jit3A_324 : f32 to vector<256x2048xf32>
    %select_n3A_326 = arith.select %eq3A_321, %broadcast_in_dim3A_325, %select_n3A_301 : vector<256x2048xi1>, vector<256x2048xf32>
    %reduce_max3A_327 = arith.constant dense<0xFF800000> : vector<256xf32>
    %reduce_max3A_328 = vector.multi_reduction <maximumf>, %select_n3A_322, %reduce_max3A_327 [1] : vector<256x2048xf32> to vector<256xf32>
    %broadcast_in_dim3A_329 = vector.shape_cast %reduce_max3A_328 : vector<256xf32> to vector<256x1xf32>
    %eq3A_330 = vector.broadcast %broadcast_in_dim3A_329 : vector<256x1xf32> to vector<256x2048xf32>
    %eq3A_331 = arith.cmpf oeq, %select_n3A_322, %eq3A_330 : vector<256x2048xf32>
    %jit3A_332 = arith.constant 4.096000e+03 : f32
    %broadcast_in_dim3A_333 = vector.broadcast %jit3A_332 : f32 to vector<256x2048xf32>
    %select_n3A_334 = arith.select %eq3A_331, %select_n3A_323, %broadcast_in_dim3A_333 : vector<256x2048xi1>, vector<256x2048xf32>
    %reduce_min3A_335 = arith.constant dense<0x7F800000> : vector<256xf32>
    %reduce_min3A_336 = vector.multi_reduction <minimumf>, %select_n3A_334, %reduce_min3A_335 [1] : vector<256x2048xf32> to vector<256xf32>
    %broadcast_in_dim3A_337 = vector.shape_cast %reduce_min3A_336 : vector<256xf32> to vector<256x1xf32>
    %ge3A_338 = arith.constant 2.048000e+03 : f32
    %ge3A_339 = vector.broadcast %ge3A_338 : f32 to vector<256x1xf32>
    %ge3A_340 = arith.cmpf oge, %broadcast_in_dim3A_337, %ge3A_339 : vector<256x1xf32>
    %sub3A_341 = arith.constant 2.048000e+03 : f32
    %sub3A_342 = vector.broadcast %sub3A_341 : f32 to vector<256x1xf32>
    %sub3A_343 = arith.subf %broadcast_in_dim3A_337, %sub3A_342 : vector<256x1xf32>
    %select_n3A_344 = arith.select %ge3A_340, %sub3A_343, %broadcast_in_dim3A_337 : vector<256x1xi1>, vector<256x1xf32>
    %eq3A_345 = vector.broadcast %select_n3A_344 : vector<256x1xf32> to vector<256x2048xf32>
    %eq3A_346 = arith.cmpf oeq, %convert_element_type3A, %eq3A_345 : vector<256x2048xf32>
    %select_n3A_347 = arith.select %eq3A_346, %select_n3A_326, %select_n3A_322 : vector<256x2048xi1>, vector<256x2048xf32>
    %select_n3A_348 = arith.select %eq3A_346, %select_n3A_56, %select_n3A_323 : vector<256x2048xi1>, vector<256x2048xf32>
    %jit3A_349 = arith.constant 0xFF800000 : f32
    %broadcast_in_dim3A_350 = vector.broadcast %jit3A_349 : f32 to vector<256x2048xf32>
    %select_n3A_351 = arith.select %eq3A_346, %broadcast_in_dim3A_350, %select_n3A_326 : vector<256x2048xi1>, vector<256x2048xf32>
    %reduce_max3A_352 = arith.constant dense<0xFF800000> : vector<256xf32>
    %reduce_max3A_353 = vector.multi_reduction <maximumf>, %select_n3A_347, %reduce_max3A_352 [1] : vector<256x2048xf32> to vector<256xf32>
    %broadcast_in_dim3A_354 = vector.shape_cast %reduce_max3A_353 : vector<256xf32> to vector<256x1xf32>
    %eq3A_355 = vector.broadcast %broadcast_in_dim3A_354 : vector<256x1xf32> to vector<256x2048xf32>
    %eq3A_356 = arith.cmpf oeq, %select_n3A_347, %eq3A_355 : vector<256x2048xf32>
    %jit3A_357 = arith.constant 4.096000e+03 : f32
    %broadcast_in_dim3A_358 = vector.broadcast %jit3A_357 : f32 to vector<256x2048xf32>
    %select_n3A_359 = arith.select %eq3A_356, %select_n3A_348, %broadcast_in_dim3A_358 : vector<256x2048xi1>, vector<256x2048xf32>
    %reduce_min3A_360 = arith.constant dense<0x7F800000> : vector<256xf32>
    %reduce_min3A_361 = vector.multi_reduction <minimumf>, %select_n3A_359, %reduce_min3A_360 [1] : vector<256x2048xf32> to vector<256xf32>
    %broadcast_in_dim3A_362 = vector.shape_cast %reduce_min3A_361 : vector<256xf32> to vector<256x1xf32>
    %ge3A_363 = arith.constant 2.048000e+03 : f32
    %ge3A_364 = vector.broadcast %ge3A_363 : f32 to vector<256x1xf32>
    %ge3A_365 = arith.cmpf oge, %broadcast_in_dim3A_362, %ge3A_364 : vector<256x1xf32>
    %sub3A_366 = arith.constant 2.048000e+03 : f32
    %sub3A_367 = vector.broadcast %sub3A_366 : f32 to vector<256x1xf32>
    %sub3A_368 = arith.subf %broadcast_in_dim3A_362, %sub3A_367 : vector<256x1xf32>
    %select_n3A_369 = arith.select %ge3A_365, %sub3A_368, %broadcast_in_dim3A_362 : vector<256x1xi1>, vector<256x1xf32>
    %eq3A_370 = vector.broadcast %select_n3A_369 : vector<256x1xf32> to vector<256x2048xf32>
    %eq3A_371 = arith.cmpf oeq, %convert_element_type3A, %eq3A_370 : vector<256x2048xf32>
    %select_n3A_372 = arith.select %eq3A_371, %select_n3A_351, %select_n3A_347 : vector<256x2048xi1>, vector<256x2048xf32>
    %select_n3A_373 = arith.select %eq3A_371, %select_n3A_56, %select_n3A_348 : vector<256x2048xi1>, vector<256x2048xf32>
    %jit3A_374 = arith.constant 0xFF800000 : f32
    %broadcast_in_dim3A_375 = vector.broadcast %jit3A_374 : f32 to vector<256x2048xf32>
    %select_n3A_376 = arith.select %eq3A_371, %broadcast_in_dim3A_375, %select_n3A_351 : vector<256x2048xi1>, vector<256x2048xf32>
    %reduce_max3A_377 = arith.constant dense<0xFF800000> : vector<256xf32>
    %reduce_max3A_378 = vector.multi_reduction <maximumf>, %select_n3A_372, %reduce_max3A_377 [1] : vector<256x2048xf32> to vector<256xf32>
    %broadcast_in_dim3A_379 = vector.shape_cast %reduce_max3A_378 : vector<256xf32> to vector<256x1xf32>
    %eq3A_380 = vector.broadcast %broadcast_in_dim3A_379 : vector<256x1xf32> to vector<256x2048xf32>
    %eq3A_381 = arith.cmpf oeq, %select_n3A_372, %eq3A_380 : vector<256x2048xf32>
    %jit3A_382 = arith.constant 4.096000e+03 : f32
    %broadcast_in_dim3A_383 = vector.broadcast %jit3A_382 : f32 to vector<256x2048xf32>
    %select_n3A_384 = arith.select %eq3A_381, %select_n3A_373, %broadcast_in_dim3A_383 : vector<256x2048xi1>, vector<256x2048xf32>
    %reduce_min3A_385 = arith.constant dense<0x7F800000> : vector<256xf32>
    %reduce_min3A_386 = vector.multi_reduction <minimumf>, %select_n3A_384, %reduce_min3A_385 [1] : vector<256x2048xf32> to vector<256xf32>
    %broadcast_in_dim3A_387 = vector.shape_cast %reduce_min3A_386 : vector<256xf32> to vector<256x1xf32>
    %ge3A_388 = arith.constant 2.048000e+03 : f32
    %ge3A_389 = vector.broadcast %ge3A_388 : f32 to vector<256x1xf32>
    %ge3A_390 = arith.cmpf oge, %broadcast_in_dim3A_387, %ge3A_389 : vector<256x1xf32>
    %sub3A_391 = arith.constant 2.048000e+03 : f32
    %sub3A_392 = vector.broadcast %sub3A_391 : f32 to vector<256x1xf32>
    %sub3A_393 = arith.subf %broadcast_in_dim3A_387, %sub3A_392 : vector<256x1xf32>
    %select_n3A_394 = arith.select %ge3A_390, %sub3A_393, %broadcast_in_dim3A_387 : vector<256x1xi1>, vector<256x1xf32>
    %eq3A_395 = vector.broadcast %select_n3A_394 : vector<256x1xf32> to vector<256x2048xf32>
    %eq3A_396 = arith.cmpf oeq, %convert_element_type3A, %eq3A_395 : vector<256x2048xf32>
    %select_n3A_397 = arith.select %eq3A_396, %select_n3A_376, %select_n3A_372 : vector<256x2048xi1>, vector<256x2048xf32>
    %select_n3A_398 = arith.select %eq3A_396, %select_n3A_56, %select_n3A_373 : vector<256x2048xi1>, vector<256x2048xf32>
    %jit3A_399 = arith.constant 0xFF800000 : f32
    %broadcast_in_dim3A_400 = vector.broadcast %jit3A_399 : f32 to vector<256x2048xf32>
    %select_n3A_401 = arith.select %eq3A_396, %broadcast_in_dim3A_400, %select_n3A_376 : vector<256x2048xi1>, vector<256x2048xf32>
    %reduce_max3A_402 = arith.constant dense<0xFF800000> : vector<256xf32>
    %reduce_max3A_403 = vector.multi_reduction <maximumf>, %select_n3A_397, %reduce_max3A_402 [1] : vector<256x2048xf32> to vector<256xf32>
    %broadcast_in_dim3A_404 = vector.shape_cast %reduce_max3A_403 : vector<256xf32> to vector<256x1xf32>
    %eq3A_405 = vector.broadcast %broadcast_in_dim3A_404 : vector<256x1xf32> to vector<256x2048xf32>
    %eq3A_406 = arith.cmpf oeq, %select_n3A_397, %eq3A_405 : vector<256x2048xf32>
    %jit3A_407 = arith.constant 4.096000e+03 : f32
    %broadcast_in_dim3A_408 = vector.broadcast %jit3A_407 : f32 to vector<256x2048xf32>
    %select_n3A_409 = arith.select %eq3A_406, %select_n3A_398, %broadcast_in_dim3A_408 : vector<256x2048xi1>, vector<256x2048xf32>
    %reduce_min3A_410 = arith.constant dense<0x7F800000> : vector<256xf32>
    %reduce_min3A_411 = vector.multi_reduction <minimumf>, %select_n3A_409, %reduce_min3A_410 [1] : vector<256x2048xf32> to vector<256xf32>
    %broadcast_in_dim3A_412 = vector.shape_cast %reduce_min3A_411 : vector<256xf32> to vector<256x1xf32>
    %ge3A_413 = arith.constant 2.048000e+03 : f32
    %ge3A_414 = vector.broadcast %ge3A_413 : f32 to vector<256x1xf32>
    %ge3A_415 = arith.cmpf oge, %broadcast_in_dim3A_412, %ge3A_414 : vector<256x1xf32>
    %sub3A_416 = arith.constant 2.048000e+03 : f32
    %sub3A_417 = vector.broadcast %sub3A_416 : f32 to vector<256x1xf32>
    %sub3A_418 = arith.subf %broadcast_in_dim3A_412, %sub3A_417 : vector<256x1xf32>
    %select_n3A_419 = arith.select %ge3A_415, %sub3A_418, %broadcast_in_dim3A_412 : vector<256x1xi1>, vector<256x1xf32>
    %eq3A_420 = vector.broadcast %select_n3A_419 : vector<256x1xf32> to vector<256x2048xf32>
    %eq3A_421 = arith.cmpf oeq, %convert_element_type3A, %eq3A_420 : vector<256x2048xf32>
    %select_n3A_422 = arith.select %eq3A_421, %select_n3A_401, %select_n3A_397 : vector<256x2048xi1>, vector<256x2048xf32>
    %select_n3A_423 = arith.select %eq3A_421, %select_n3A_56, %select_n3A_398 : vector<256x2048xi1>, vector<256x2048xf32>
    %jit3A_424 = arith.constant 0xFF800000 : f32
    %broadcast_in_dim3A_425 = vector.broadcast %jit3A_424 : f32 to vector<256x2048xf32>
    %select_n3A_426 = arith.select %eq3A_421, %broadcast_in_dim3A_425, %select_n3A_401 : vector<256x2048xi1>, vector<256x2048xf32>
    %reduce_max3A_427 = arith.constant dense<0xFF800000> : vector<256xf32>
    %reduce_max3A_428 = vector.multi_reduction <maximumf>, %select_n3A_422, %reduce_max3A_427 [1] : vector<256x2048xf32> to vector<256xf32>
    %broadcast_in_dim3A_429 = vector.shape_cast %reduce_max3A_428 : vector<256xf32> to vector<256x1xf32>
    %eq3A_430 = vector.broadcast %broadcast_in_dim3A_429 : vector<256x1xf32> to vector<256x2048xf32>
    %eq3A_431 = arith.cmpf oeq, %select_n3A_422, %eq3A_430 : vector<256x2048xf32>
    %jit3A_432 = arith.constant 4.096000e+03 : f32
    %broadcast_in_dim3A_433 = vector.broadcast %jit3A_432 : f32 to vector<256x2048xf32>
    %select_n3A_434 = arith.select %eq3A_431, %select_n3A_423, %broadcast_in_dim3A_433 : vector<256x2048xi1>, vector<256x2048xf32>
    %reduce_min3A_435 = arith.constant dense<0x7F800000> : vector<256xf32>
    %reduce_min3A_436 = vector.multi_reduction <minimumf>, %select_n3A_434, %reduce_min3A_435 [1] : vector<256x2048xf32> to vector<256xf32>
    %broadcast_in_dim3A_437 = vector.shape_cast %reduce_min3A_436 : vector<256xf32> to vector<256x1xf32>
    %ge3A_438 = arith.constant 2.048000e+03 : f32
    %ge3A_439 = vector.broadcast %ge3A_438 : f32 to vector<256x1xf32>
    %ge3A_440 = arith.cmpf oge, %broadcast_in_dim3A_437, %ge3A_439 : vector<256x1xf32>
    %sub3A_441 = arith.constant 2.048000e+03 : f32
    %sub3A_442 = vector.broadcast %sub3A_441 : f32 to vector<256x1xf32>
    %sub3A_443 = arith.subf %broadcast_in_dim3A_437, %sub3A_442 : vector<256x1xf32>
    %select_n3A_444 = arith.select %ge3A_440, %sub3A_443, %broadcast_in_dim3A_437 : vector<256x1xi1>, vector<256x1xf32>
    %eq3A_445 = vector.broadcast %select_n3A_444 : vector<256x1xf32> to vector<256x2048xf32>
    %eq3A_446 = arith.cmpf oeq, %convert_element_type3A, %eq3A_445 : vector<256x2048xf32>
    %select_n3A_447 = arith.select %eq3A_446, %select_n3A_426, %select_n3A_422 : vector<256x2048xi1>, vector<256x2048xf32>
    %select_n3A_448 = arith.select %eq3A_446, %select_n3A_56, %select_n3A_423 : vector<256x2048xi1>, vector<256x2048xf32>
    %jit3A_449 = arith.constant 0xFF800000 : f32
    %broadcast_in_dim3A_450 = vector.broadcast %jit3A_449 : f32 to vector<256x2048xf32>
    %select_n3A_451 = arith.select %eq3A_446, %broadcast_in_dim3A_450, %select_n3A_426 : vector<256x2048xi1>, vector<256x2048xf32>
    %reduce_max3A_452 = arith.constant dense<0xFF800000> : vector<256xf32>
    %reduce_max3A_453 = vector.multi_reduction <maximumf>, %select_n3A_447, %reduce_max3A_452 [1] : vector<256x2048xf32> to vector<256xf32>
    %broadcast_in_dim3A_454 = vector.shape_cast %reduce_max3A_453 : vector<256xf32> to vector<256x1xf32>
    %eq3A_455 = vector.broadcast %broadcast_in_dim3A_454 : vector<256x1xf32> to vector<256x2048xf32>
    %eq3A_456 = arith.cmpf oeq, %select_n3A_447, %eq3A_455 : vector<256x2048xf32>
    %jit3A_457 = arith.constant 4.096000e+03 : f32
    %broadcast_in_dim3A_458 = vector.broadcast %jit3A_457 : f32 to vector<256x2048xf32>
    %select_n3A_459 = arith.select %eq3A_456, %select_n3A_448, %broadcast_in_dim3A_458 : vector<256x2048xi1>, vector<256x2048xf32>
    %reduce_min3A_460 = arith.constant dense<0x7F800000> : vector<256xf32>
    %reduce_min3A_461 = vector.multi_reduction <minimumf>, %select_n3A_459, %reduce_min3A_460 [1] : vector<256x2048xf32> to vector<256xf32>
    %broadcast_in_dim3A_462 = vector.shape_cast %reduce_min3A_461 : vector<256xf32> to vector<256x1xf32>
    %ge3A_463 = arith.constant 2.048000e+03 : f32
    %ge3A_464 = vector.broadcast %ge3A_463 : f32 to vector<256x1xf32>
    %ge3A_465 = arith.cmpf oge, %broadcast_in_dim3A_462, %ge3A_464 : vector<256x1xf32>
    %sub3A_466 = arith.constant 2.048000e+03 : f32
    %sub3A_467 = vector.broadcast %sub3A_466 : f32 to vector<256x1xf32>
    %sub3A_468 = arith.subf %broadcast_in_dim3A_462, %sub3A_467 : vector<256x1xf32>
    %select_n3A_469 = arith.select %ge3A_465, %sub3A_468, %broadcast_in_dim3A_462 : vector<256x1xi1>, vector<256x1xf32>
    %eq3A_470 = vector.broadcast %select_n3A_469 : vector<256x1xf32> to vector<256x2048xf32>
    %eq3A_471 = arith.cmpf oeq, %convert_element_type3A, %eq3A_470 : vector<256x2048xf32>
    %select_n3A_472 = arith.select %eq3A_471, %select_n3A_451, %select_n3A_447 : vector<256x2048xi1>, vector<256x2048xf32>
    %select_n3A_473 = arith.select %eq3A_471, %select_n3A_56, %select_n3A_448 : vector<256x2048xi1>, vector<256x2048xf32>
    %jit3A_474 = arith.constant 0xFF800000 : f32
    %broadcast_in_dim3A_475 = vector.broadcast %jit3A_474 : f32 to vector<256x2048xf32>
    %select_n3A_476 = arith.select %eq3A_471, %broadcast_in_dim3A_475, %select_n3A_451 : vector<256x2048xi1>, vector<256x2048xf32>
    %reduce_max3A_477 = arith.constant dense<0xFF800000> : vector<256xf32>
    %reduce_max3A_478 = vector.multi_reduction <maximumf>, %select_n3A_472, %reduce_max3A_477 [1] : vector<256x2048xf32> to vector<256xf32>
    %broadcast_in_dim3A_479 = vector.shape_cast %reduce_max3A_478 : vector<256xf32> to vector<256x1xf32>
    %eq3A_480 = vector.broadcast %broadcast_in_dim3A_479 : vector<256x1xf32> to vector<256x2048xf32>
    %eq3A_481 = arith.cmpf oeq, %select_n3A_472, %eq3A_480 : vector<256x2048xf32>
    %jit3A_482 = arith.constant 4.096000e+03 : f32
    %broadcast_in_dim3A_483 = vector.broadcast %jit3A_482 : f32 to vector<256x2048xf32>
    %select_n3A_484 = arith.select %eq3A_481, %select_n3A_473, %broadcast_in_dim3A_483 : vector<256x2048xi1>, vector<256x2048xf32>
    %reduce_min3A_485 = arith.constant dense<0x7F800000> : vector<256xf32>
    %reduce_min3A_486 = vector.multi_reduction <minimumf>, %select_n3A_484, %reduce_min3A_485 [1] : vector<256x2048xf32> to vector<256xf32>
    %broadcast_in_dim3A_487 = vector.shape_cast %reduce_min3A_486 : vector<256xf32> to vector<256x1xf32>
    %ge3A_488 = arith.constant 2.048000e+03 : f32
    %ge3A_489 = vector.broadcast %ge3A_488 : f32 to vector<256x1xf32>
    %ge3A_490 = arith.cmpf oge, %broadcast_in_dim3A_487, %ge3A_489 : vector<256x1xf32>
    %sub3A_491 = arith.constant 2.048000e+03 : f32
    %sub3A_492 = vector.broadcast %sub3A_491 : f32 to vector<256x1xf32>
    %sub3A_493 = arith.subf %broadcast_in_dim3A_487, %sub3A_492 : vector<256x1xf32>
    %select_n3A_494 = arith.select %ge3A_490, %sub3A_493, %broadcast_in_dim3A_487 : vector<256x1xi1>, vector<256x1xf32>
    %eq3A_495 = vector.broadcast %select_n3A_494 : vector<256x1xf32> to vector<256x2048xf32>
    %eq3A_496 = arith.cmpf oeq, %convert_element_type3A, %eq3A_495 : vector<256x2048xf32>
    %select_n3A_497 = arith.select %eq3A_496, %select_n3A_476, %select_n3A_472 : vector<256x2048xi1>, vector<256x2048xf32>
    %select_n3A_498 = arith.select %eq3A_496, %select_n3A_56, %select_n3A_473 : vector<256x2048xi1>, vector<256x2048xf32>
    %jit3A_499 = arith.constant 0xFF800000 : f32
    %broadcast_in_dim3A_500 = vector.broadcast %jit3A_499 : f32 to vector<256x2048xf32>
    %select_n3A_501 = arith.select %eq3A_496, %broadcast_in_dim3A_500, %select_n3A_476 : vector<256x2048xi1>, vector<256x2048xf32>
    %reduce_max3A_502 = arith.constant dense<0xFF800000> : vector<256xf32>
    %reduce_max3A_503 = vector.multi_reduction <maximumf>, %select_n3A_497, %reduce_max3A_502 [1] : vector<256x2048xf32> to vector<256xf32>
    %broadcast_in_dim3A_504 = vector.shape_cast %reduce_max3A_503 : vector<256xf32> to vector<256x1xf32>
    %eq3A_505 = vector.broadcast %broadcast_in_dim3A_504 : vector<256x1xf32> to vector<256x2048xf32>
    %eq3A_506 = arith.cmpf oeq, %select_n3A_497, %eq3A_505 : vector<256x2048xf32>
    %jit3A_507 = arith.constant 4.096000e+03 : f32
    %broadcast_in_dim3A_508 = vector.broadcast %jit3A_507 : f32 to vector<256x2048xf32>
    %select_n3A_509 = arith.select %eq3A_506, %select_n3A_498, %broadcast_in_dim3A_508 : vector<256x2048xi1>, vector<256x2048xf32>
    %reduce_min3A_510 = arith.constant dense<0x7F800000> : vector<256xf32>
    %reduce_min3A_511 = vector.multi_reduction <minimumf>, %select_n3A_509, %reduce_min3A_510 [1] : vector<256x2048xf32> to vector<256xf32>
    %broadcast_in_dim3A_512 = vector.shape_cast %reduce_min3A_511 : vector<256xf32> to vector<256x1xf32>
    %ge3A_513 = arith.constant 2.048000e+03 : f32
    %ge3A_514 = vector.broadcast %ge3A_513 : f32 to vector<256x1xf32>
    %ge3A_515 = arith.cmpf oge, %broadcast_in_dim3A_512, %ge3A_514 : vector<256x1xf32>
    %sub3A_516 = arith.constant 2.048000e+03 : f32
    %sub3A_517 = vector.broadcast %sub3A_516 : f32 to vector<256x1xf32>
    %sub3A_518 = arith.subf %broadcast_in_dim3A_512, %sub3A_517 : vector<256x1xf32>
    %select_n3A_519 = arith.select %ge3A_515, %sub3A_518, %broadcast_in_dim3A_512 : vector<256x1xi1>, vector<256x1xf32>
    %eq3A_520 = vector.broadcast %select_n3A_519 : vector<256x1xf32> to vector<256x2048xf32>
    %eq3A_521 = arith.cmpf oeq, %convert_element_type3A, %eq3A_520 : vector<256x2048xf32>
    %select_n3A_522 = arith.select %eq3A_521, %select_n3A_501, %select_n3A_497 : vector<256x2048xi1>, vector<256x2048xf32>
    %select_n3A_523 = arith.select %eq3A_521, %select_n3A_56, %select_n3A_498 : vector<256x2048xi1>, vector<256x2048xf32>
    %reduce_max3A_524 = arith.constant dense<0xFF800000> : vector<256xf32>
    %reduce_max3A_525 = vector.multi_reduction <maximumf>, %select_n3A_522, %reduce_max3A_524 [1] : vector<256x2048xf32> to vector<256xf32>
    %broadcast_in_dim3A_526 = vector.shape_cast %reduce_max3A_525 : vector<256xf32> to vector<256x1xf32>
    %eq3A_527 = vector.broadcast %broadcast_in_dim3A_526 : vector<256x1xf32> to vector<256x2048xf32>
    %eq3A_528 = arith.cmpf oeq, %select_n3A_522, %eq3A_527 : vector<256x2048xf32>
    %jit3A_529 = arith.constant 4.096000e+03 : f32
    %broadcast_in_dim3A_530 = vector.broadcast %jit3A_529 : f32 to vector<256x2048xf32>
    %select_n3A_531 = arith.select %eq3A_528, %select_n3A_523, %broadcast_in_dim3A_530 : vector<256x2048xi1>, vector<256x2048xf32>
    %reduce_min3A_532 = arith.constant dense<0x7F800000> : vector<256xf32>
    %reduce_min3A_533 = vector.multi_reduction <minimumf>, %select_n3A_531, %reduce_min3A_532 [1] : vector<256x2048xf32> to vector<256xf32>
    %broadcast_in_dim3A_534 = vector.shape_cast %reduce_min3A_533 : vector<256xf32> to vector<256x1xf32>
    %concatenate3A = tpu.concatenate %broadcast_in_dim3A_62, %broadcast_in_dim3A_87, %broadcast_in_dim3A_112, %broadcast_in_dim3A_137, %broadcast_in_dim3A_162, %broadcast_in_dim3A_187, %broadcast_in_dim3A_212, %broadcast_in_dim3A_237, %broadcast_in_dim3A_262, %broadcast_in_dim3A_287, %broadcast_in_dim3A_312, %broadcast_in_dim3A_337, %broadcast_in_dim3A_362, %broadcast_in_dim3A_387, %broadcast_in_dim3A_412, %broadcast_in_dim3A_437, %broadcast_in_dim3A_462, %broadcast_in_dim3A_487, %broadcast_in_dim3A_512, %broadcast_in_dim3A_534 in 1 : vector<256x1xf32>, vector<256x1xf32>, vector<256x1xf32>, vector<256x1xf32>, vector<256x1xf32>, vector<256x1xf32>, vector<256x1xf32>, vector<256x1xf32>, vector<256x1xf32>, vector<256x1xf32>, vector<256x1xf32>, vector<256x1xf32>, vector<256x1xf32>, vector<256x1xf32>, vector<256x1xf32>, vector<256x1xf32>, vector<256x1xf32>, vector<256x1xf32>, vector<256x1xf32>, vector<256x1xf32> -> vector<256x20xf32>
    %convert_element_type3A_535 = arith.fptosi %concatenate3A : vector<256x20xf32> to vector<256x20xi32>
    %mul3A_536 = arith.constant 4096 : i32
    %mul3A_537 = arith.muli %arg0, %mul3A_536 : i32
    %add3A_538 = vector.broadcast %mul3A_537 : i32 to vector<256x20xi32>
    %add3A_539 = arith.addi %convert_element_type3A_535, %add3A_538 : vector<256x20xi32>
    %swap3A_540 = arith.constant 0 : index
    %swap3A_541 = arith.constant 0 : index
    %swap3A_542 = arith.constant 0 : index
    %swap3A_543 = vector.load %arg9[%swap3A_540, %swap3A_541, %swap3A_542] : memref<1x256x20xi32, #tpu.memory_space<vmem>>, vector<1x256x20xi32>
    %swap3A_544 = vector.shape_cast %swap3A_543 : vector<1x256x20xi32> to vector<256x20xi32>
    %swap3A_545 = vector.shape_cast %add3A_539 : vector<256x20xi32> to vector<1x256x20xi32>
    tpu.vector_store %arg9[%swap3A_540, %swap3A_541, %swap3A_542], %swap3A_545 {strides = array<i32>} : memref<1x256x20xi32, #tpu.memory_space<vmem>>, vector<1x256x20xi32>,
    return
  }
  func.func @transform_0(%arg0: i32, %arg1: i32) -> (i32, i32, i32) {
    %c0_i32 = arith.constant 0 : i32
    %c0_i32_0 = arith.constant 0 : i32
    return %arg0, %arg1, %c0_i32 : i32, i32, i32
  }
  func.func @transform_1(%arg0: i32, %arg1: i32) -> (i32, i32, i32) {
    %c0_i32 = arith.constant 0 : i32
    %c0_i32_0 = arith.constant 0 : i32
    %c0_i32_1 = arith.constant 0 : i32
    return %arg0, %c0_i32, %c0_i32_0 : i32, i32, i32
  }
  func.func @transform_2(%arg0: i32, %arg1: i32) -> (i32, i32, i32) {
    %c0_i32 = arith.constant 0 : i32
    %c0_i32_0 = arith.constant 0 : i32
    return %arg0, %arg1, %c0_i32 : i32, i32, i32
  }
  func.func @transform_3(%arg0: i32, %arg1: i32) -> (i32, i32, i32) {
    %c0_i32 = arith.constant 0 : i32
    %c0_i32_0 = arith.constant 0 : i32
    %c0_i32_1 = arith.constant 0 : i32
    return %arg0, %c0_i32, %c0_i32_0 : i32, i32, i32
  }
  func.func @transform_4(%arg0: i32, %arg1: i32) -> (i32, i32) {
    %c0_i32 = arith.constant 0 : i32
    %c0_i32_0 = arith.constant 0 : i32
    %c0_i32_1 = arith.constant 0 : i32
    return %c0_i32, %c0_i32_0 : i32, i32
  }
  func.func @transform_5(%arg0: i32, %arg1: i32) -> (i32, i32) {
    %c0_i32 = arith.constant 0 : i32
    %c0_i32_0 = arith.constant 0 : i32
    %c0_i32_1 = arith.constant 0 : i32
    return %c0_i32, %c0_i32_0 : i32, i32
  }
  func.func @transform_6(%arg0: i32, %arg1: i32) -> (i32, i32) {
    %c0_i32 = arith.constant 0 : i32
    %c0_i32_0 = arith.constant 0 : i32
    %c0_i32_1 = arith.constant 0 : i32
    return %c0_i32, %c0_i32_0 : i32, i32
  }
  func.func @transform_7(%arg0: i32, %arg1: i32) -> (i32, i32, i32) {
    %c0_i32 = arith.constant 0 : i32
    %c0_i32_0 = arith.constant 0 : i32
    return %arg0, %arg1, %c0_i32 : i32, i32, i32
  }
  func.func @transform_8(%arg0: i32, %arg1: i32) -> (i32, i32, i32) {
    %c0_i32 = arith.constant 0 : i32
    %c0_i32_0 = arith.constant 0 : i32
    return %arg0, %arg1, %c0_i32 : i32, i32, i32
  }
  func.func @transform_9(%arg0: i32, %arg1: i32) -> (i32, i32, i32) {
    %c0_i32 = arith.constant 0 : i32
    %c0_i32_0 = arith.constant 0 : i32
    return %arg0, %arg1, %c0_i32 : i32, i32, i32
  }
}

module attributes {stable_mosaic.version = 14 : i64} {
  func.func @_c1_body(%arg0: i32, %arg1: i32, %arg2: memref<1x20x256x64xf32, #tpu.memory_space<vmem>>, %arg3: memref<1x256x64xf32, #tpu.memory_space<vmem>>, %arg4: memref<2x64xf32, #tpu.memory_space<vmem>>, %arg5: memref<64x64xf32, #tpu.memory_space<vmem>>, %arg6: memref<1x64xf32, #tpu.memory_space<vmem>>, %arg7: memref<1x64xf32, #tpu.memory_space<vmem>>, %arg8: memref<1x256x64xf32, #tpu.memory_space<vmem>>, %arg9: memref<2x64xf32, #tpu.memory_space<vmem>>) attributes {dimension_semantics = [#tpu.dimension_semantics<arbitrary>, #tpu.dimension_semantics<arbitrary>], iteration_bounds = array<i64: 4, 16>, scalar_prefetch = 0 : i64, scratch_operands = 0 : i64, tpu.core_type = #tpu.core_type<tc>, window_params = [{transform_indices = @transform_0, window_bounds = array<i64: 1, 20, 256, 64>}, {transform_indices = @transform_1, window_bounds = array<i64: 1, 256, 64>}, {pipeline_mode = #tpu.pipeline_mode<synchronous>, transform_indices = @transform_2, window_bounds = array<i64: 2, 64>}, {pipeline_mode = #tpu.pipeline_mode<synchronous>, transform_indices = @transform_3, window_bounds = array<i64: 64, 64>}, {pipeline_mode = #tpu.pipeline_mode<synchronous>, transform_indices = @transform_4, window_bounds = array<i64: 1, 64>}, {pipeline_mode = #tpu.pipeline_mode<synchronous>, transform_indices = @transform_5, window_bounds = array<i64: 1, 64>}, {transform_indices = @transform_6, window_bounds = array<i64: 1, 256, 64>}, {pipeline_mode = #tpu.pipeline_mode<synchronous>, transform_indices = @transform_7, window_bounds = array<i64: 2, 64>}]} {
    %eq3A = arith.constant 0 : i32
    %eq3A_0 = arith.cmpi eq, %arg0, %eq3A : i32
    %eq3A_1 = arith.constant 0 : i32
    %eq3A_2 = arith.cmpi eq, %arg1, %eq3A_1 : i32
    %and3A = arith.andi %eq3A_0, %eq3A_2 : i1
    %convert_element_type3A = arith.extui %and3A : i1 to i32
    %cond3A = arith.constant 0 : i32
    %cond3A_3 = arith.cmpi ne, %convert_element_type3A, %cond3A : i32
    scf.if %cond3A_3 {
      %broadcast_in_dim3A_69 = arith.constant 0.000000e+00 : f32
      %broadcast_in_dim3A_70 = vector.broadcast %broadcast_in_dim3A_69 : f32 to vector<2x64xf32>
      %swap3A_71 = arith.constant 0 : index
      %swap3A_72 = arith.constant 0 : index
      %swap3A_73 = vector.load %arg9[%swap3A_71, %swap3A_72] : memref<2x64xf32, #tpu.memory_space<vmem>>, vector<2x64xf32>
      tpu.vector_store %arg9[%swap3A_71, %swap3A_72], %broadcast_in_dim3A_70 {strides = array<i32>} : memref<2x64xf32, #tpu.memory_space<vmem>>, vector<2x64xf32>,
    } else {
    }
    %get3A = arith.constant 0 : index
    %get3A_4 = arith.constant 0 : index
    %get3A_5 = arith.constant 0 : index
    %get3A_6 = arith.constant 0 : index
    %get3A_7 = vector.load %arg2[%get3A, %get3A_4, %get3A_5, %get3A_6] : memref<1x20x256x64xf32, #tpu.memory_space<vmem>>, vector<1x20x256x64xf32>
    %get3A_8 = vector.shape_cast %get3A_7 : vector<1x20x256x64xf32> to vector<20x256x64xf32>
    %get3A_9 = arith.constant 0 : index
    %get3A_10 = arith.constant 0 : index
    %get3A_11 = arith.constant 0 : index
    %get3A_12 = vector.load %arg3[%get3A_9, %get3A_10, %get3A_11] : memref<1x256x64xf32, #tpu.memory_space<vmem>>, vector<1x256x64xf32>
    %get3A_13 = vector.shape_cast %get3A_12 : vector<1x256x64xf32> to vector<256x64xf32>
    %broadcast_in_dim3A = vector.shape_cast %get3A_13 : vector<256x64xf32> to vector<1x256x64xf32>
    %add3A = vector.broadcast %broadcast_in_dim3A : vector<1x256x64xf32> to vector<20x256x64xf32>
    %add3A_14 = arith.addf %get3A_8, %add3A : vector<20x256x64xf32>
    %reshape3A = vector.shape_cast %add3A_14 : vector<20x256x64xf32> to vector<5120x64xf32>
    %get3A_15 = arith.constant 0 : index
    %get3A_16 = arith.constant 0 : index
    %get3A_17 = vector.load %arg4[%get3A_15, %get3A_16] : memref<2x64xf32, #tpu.memory_space<vmem>>, vector<1x64xf32>
    %mul3A = arith.constant 3.05175786E-6 : f32
    %mul3A_18 = vector.broadcast %mul3A : f32 to vector<1x64xf32>
    %mul3A_19 = arith.mulf %get3A_17, %mul3A_18 : vector<1x64xf32>
    %get3A_20 = arith.constant 1 : index
    %get3A_21 = arith.constant 0 : index
    %get3A_22 = vector.load %arg4[%get3A_20, %get3A_21] : memref<2x64xf32, #tpu.memory_space<vmem>>, vector<1x64xf32>
    %mul3A_23 = arith.constant 3.05175786E-6 : f32
    %mul3A_24 = vector.broadcast %mul3A_23 : f32 to vector<1x64xf32>
    %mul3A_25 = arith.mulf %get3A_22, %mul3A_24 : vector<1x64xf32>
    %mul3A_26 = arith.mulf %mul3A_19, %mul3A_19 : vector<1x64xf32>
    %sub3A = arith.subf %mul3A_25, %mul3A_26 : vector<1x64xf32>
    %get3A_27 = arith.constant 0 : index
    %get3A_28 = arith.constant 0 : index
    %get3A_29 = vector.load %arg6[%get3A_27, %get3A_28] : memref<1x64xf32, #tpu.memory_space<vmem>>, vector<1x64xf32>
    %add3A_30 = arith.constant 9.99999974E-6 : f32
    %add3A_31 = vector.broadcast %add3A_30 : f32 to vector<1x64xf32>
    %add3A_32 = arith.addf %sub3A, %add3A_31 : vector<1x64xf32>
    %rsqrt3A = math.rsqrt %add3A_32 : vector<1x64xf32>
    %mul3A_33 = arith.mulf %get3A_29, %rsqrt3A : vector<1x64xf32>
    %sub3A_34 = vector.broadcast %mul3A_19 : vector<1x64xf32> to vector<5120x64xf32>
    %sub3A_35 = arith.subf %reshape3A, %sub3A_34 : vector<5120x64xf32>
    %mul3A_36 = vector.broadcast %mul3A_33 : vector<1x64xf32> to vector<5120x64xf32>
    %mul3A_37 = arith.mulf %sub3A_35, %mul3A_36 : vector<5120x64xf32>
    %get3A_38 = arith.constant 0 : index
    %get3A_39 = arith.constant 0 : index
    %get3A_40 = vector.load %arg7[%get3A_38, %get3A_39] : memref<1x64xf32, #tpu.memory_space<vmem>>, vector<1x64xf32>
    %add3A_41 = vector.broadcast %get3A_40 : vector<1x64xf32> to vector<5120x64xf32>
    %add3A_42 = arith.addf %mul3A_37, %add3A_41 : vector<5120x64xf32>
    %max3A = arith.constant 0.000000e+00 : f32
    %max3A_43 = vector.broadcast %max3A : f32 to vector<5120x64xf32>
    %max3A_44 = arith.maximumf %add3A_42, %max3A_43 : vector<5120x64xf32>
    %get3A_45 = arith.constant 0 : index
    %get3A_46 = arith.constant 0 : index
    %get3A_47 = vector.load %arg5[%get3A_45, %get3A_46] : memref<64x64xf32, #tpu.memory_space<vmem>>, vector<64x64xf32>
    %dot_general3A = arith.constant dense<0.000000e+00> : vector<5120x64xf32>
    %dot_general3A_48 = tpu.matmul %max3A_44, %get3A_47, %dot_general3A {dimension_numbers = #tpu.dot_dimension_numbers<[1], [0], [0], [1], [0, 0, 1, 1], [], []>, precision = #tpu.contract_precision<fp32>, transpose_lhs_hint = false} : vector<5120x64xf32>, vector<64x64xf32>, vector<5120x64xf32> -> vector<5120x64xf32>
    %reshape3A_49 = vector.shape_cast %dot_general3A_48 : vector<5120x64xf32> to vector<20x256x64xf32>
    %reduce_max3A = arith.constant dense<0xFF800000> : vector<256x64xf32>
    %reduce_max3A_50 = vector.multi_reduction <maximumf>, %reshape3A_49, %reduce_max3A [0] : vector<20x256x64xf32> to vector<256x64xf32>
    %swap3A = arith.constant 0 : index
    %swap3A_51 = arith.constant 0 : index
    %swap3A_52 = arith.constant 0 : index
    %swap3A_53 = vector.load %arg8[%swap3A, %swap3A_51, %swap3A_52] : memref<1x256x64xf32, #tpu.memory_space<vmem>>, vector<1x256x64xf32>
    %swap3A_54 = vector.shape_cast %swap3A_53 : vector<1x256x64xf32> to vector<256x64xf32>
    %swap3A_55 = vector.shape_cast %reduce_max3A_50 : vector<256x64xf32> to vector<1x256x64xf32>
    tpu.vector_store %arg8[%swap3A, %swap3A_51, %swap3A_52], %swap3A_55 {strides = array<i32>} : memref<1x256x64xf32, #tpu.memory_space<vmem>>, vector<1x256x64xf32>,
    %reduce_sum3A = arith.constant dense<0.000000e+00> : vector<64xf32>
    %reduce_sum3A_56 = vector.multi_reduction <add>, %dot_general3A_48, %reduce_sum3A [0] : vector<5120x64xf32> to vector<64xf32>
    %broadcast_in_dim3A_57 = vector.shape_cast %reduce_sum3A_56 : vector<64xf32> to vector<1x64xf32>
    %mul3A_58 = arith.mulf %dot_general3A_48, %dot_general3A_48 : vector<5120x64xf32>
    %reduce_sum3A_59 = arith.constant dense<0.000000e+00> : vector<64xf32>
    %reduce_sum3A_60 = vector.multi_reduction <add>, %mul3A_58, %reduce_sum3A_59 [0] : vector<5120x64xf32> to vector<64xf32>
    %broadcast_in_dim3A_61 = vector.shape_cast %reduce_sum3A_60 : vector<64xf32> to vector<1x64xf32>
    %get3A_62 = arith.constant 0 : index
    %get3A_63 = arith.constant 0 : index
    %get3A_64 = vector.load %arg9[%get3A_62, %get3A_63] : memref<2x64xf32, #tpu.memory_space<vmem>>, vector<2x64xf32>
    %concatenate3A = tpu.concatenate %broadcast_in_dim3A_57, %broadcast_in_dim3A_61 in 0 : vector<1x64xf32>, vector<1x64xf32> -> vector<2x64xf32>
    %add3A_65 = arith.addf %get3A_64, %concatenate3A : vector<2x64xf32>
    %swap3A_66 = arith.constant 0 : index
    %swap3A_67 = arith.constant 0 : index
    %swap3A_68 = vector.load %arg9[%swap3A_66, %swap3A_67] : memref<2x64xf32, #tpu.memory_space<vmem>>, vector<2x64xf32>
    tpu.vector_store %arg9[%swap3A_66, %swap3A_67], %add3A_65 {strides = array<i32>} : memref<2x64xf32, #tpu.memory_space<vmem>>, vector<2x64xf32>,
    return
  }
  func.func @transform_0(%arg0: i32, %arg1: i32) -> (i32, i32, i32, i32) {
    %c0_i32 = arith.constant 0 : i32
    %c0_i32_0 = arith.constant 0 : i32
    %c0_i32_1 = arith.constant 0 : i32
    return %arg0, %c0_i32, %arg1, %c0_i32_0 : i32, i32, i32, i32
  }
  func.func @transform_1(%arg0: i32, %arg1: i32) -> (i32, i32, i32) {
    %c0_i32 = arith.constant 0 : i32
    %c0_i32_0 = arith.constant 0 : i32
    return %arg0, %arg1, %c0_i32 : i32, i32, i32
  }
  func.func @transform_2(%arg0: i32, %arg1: i32) -> (i32, i32) {
    %c0_i32 = arith.constant 0 : i32
    %c0_i32_0 = arith.constant 0 : i32
    %c0_i32_1 = arith.constant 0 : i32
    return %c0_i32, %c0_i32_0 : i32, i32
  }
  func.func @transform_3(%arg0: i32, %arg1: i32) -> (i32, i32) {
    %c0_i32 = arith.constant 0 : i32
    %c0_i32_0 = arith.constant 0 : i32
    %c0_i32_1 = arith.constant 0 : i32
    return %c0_i32, %c0_i32_0 : i32, i32
  }
  func.func @transform_4(%arg0: i32, %arg1: i32) -> (i32, i32) {
    %c0_i32 = arith.constant 0 : i32
    %c0_i32_0 = arith.constant 0 : i32
    %c0_i32_1 = arith.constant 0 : i32
    return %c0_i32, %c0_i32_0 : i32, i32
  }
  func.func @transform_5(%arg0: i32, %arg1: i32) -> (i32, i32) {
    %c0_i32 = arith.constant 0 : i32
    %c0_i32_0 = arith.constant 0 : i32
    %c0_i32_1 = arith.constant 0 : i32
    return %c0_i32, %c0_i32_0 : i32, i32
  }
  func.func @transform_6(%arg0: i32, %arg1: i32) -> (i32, i32, i32) {
    %c0_i32 = arith.constant 0 : i32
    %c0_i32_0 = arith.constant 0 : i32
    return %arg0, %arg1, %c0_i32 : i32, i32, i32
  }
  func.func @transform_7(%arg0: i32, %arg1: i32) -> (i32, i32) {
    %c0_i32 = arith.constant 0 : i32
    %c0_i32_0 = arith.constant 0 : i32
    %c0_i32_1 = arith.constant 0 : i32
    return %c0_i32, %c0_i32_0 : i32, i32
  }
}

module attributes {stable_mosaic.version = 14 : i64} {
  func.func @_c0_body(%arg0: i32, %arg1: i32, %arg2: memref<1x20x256x64xf32, #tpu.memory_space<vmem>>, %arg3: memref<1x256x64xf32, #tpu.memory_space<vmem>>, %arg4: memref<2x64xf32, #tpu.memory_space<vmem>>) attributes {dimension_semantics = [#tpu.dimension_semantics<arbitrary>, #tpu.dimension_semantics<arbitrary>], iteration_bounds = array<i64: 4, 16>, scalar_prefetch = 0 : i64, scratch_operands = 0 : i64, tpu.core_type = #tpu.core_type<tc>, window_params = [{transform_indices = @transform_0, window_bounds = array<i64: 1, 20, 256, 64>}, {transform_indices = @transform_1, window_bounds = array<i64: 1, 256, 64>}, {pipeline_mode = #tpu.pipeline_mode<synchronous>, transform_indices = @transform_2, window_bounds = array<i64: 2, 64>}]} {
    %eq3A = arith.constant 0 : i32
    %eq3A_0 = arith.cmpi eq, %arg0, %eq3A : i32
    %eq3A_1 = arith.constant 0 : i32
    %eq3A_2 = arith.cmpi eq, %arg1, %eq3A_1 : i32
    %and3A = arith.andi %eq3A_0, %eq3A_2 : i1
    %convert_element_type3A = arith.extui %and3A : i1 to i32
    %cond3A = arith.constant 0 : i32
    %cond3A_3 = arith.cmpi ne, %convert_element_type3A, %cond3A : i32
    scf.if %cond3A_3 {
      %broadcast_in_dim3A_26 = arith.constant 0.000000e+00 : f32
      %broadcast_in_dim3A_27 = vector.broadcast %broadcast_in_dim3A_26 : f32 to vector<2x64xf32>
      %swap3A_28 = arith.constant 0 : index
      %swap3A_29 = arith.constant 0 : index
      %swap3A_30 = vector.load %arg4[%swap3A_28, %swap3A_29] : memref<2x64xf32, #tpu.memory_space<vmem>>, vector<2x64xf32>
      tpu.vector_store %arg4[%swap3A_28, %swap3A_29], %broadcast_in_dim3A_27 {strides = array<i32>} : memref<2x64xf32, #tpu.memory_space<vmem>>, vector<2x64xf32>,
    } else {
    }
    %get3A = arith.constant 0 : index
    %get3A_4 = arith.constant 0 : index
    %get3A_5 = arith.constant 0 : index
    %get3A_6 = arith.constant 0 : index
    %get3A_7 = vector.load %arg2[%get3A, %get3A_4, %get3A_5, %get3A_6] : memref<1x20x256x64xf32, #tpu.memory_space<vmem>>, vector<1x20x256x64xf32>
    %get3A_8 = vector.shape_cast %get3A_7 : vector<1x20x256x64xf32> to vector<20x256x64xf32>
    %get3A_9 = arith.constant 0 : index
    %get3A_10 = arith.constant 0 : index
    %get3A_11 = arith.constant 0 : index
    %get3A_12 = vector.load %arg3[%get3A_9, %get3A_10, %get3A_11] : memref<1x256x64xf32, #tpu.memory_space<vmem>>, vector<1x256x64xf32>
    %get3A_13 = vector.shape_cast %get3A_12 : vector<1x256x64xf32> to vector<256x64xf32>
    %broadcast_in_dim3A = vector.shape_cast %get3A_13 : vector<256x64xf32> to vector<1x256x64xf32>
    %add3A = vector.broadcast %broadcast_in_dim3A : vector<1x256x64xf32> to vector<20x256x64xf32>
    %add3A_14 = arith.addf %get3A_8, %add3A : vector<20x256x64xf32>
    %reshape3A = vector.shape_cast %add3A_14 : vector<20x256x64xf32> to vector<5120x64xf32>
    %reduce_sum3A = arith.constant dense<0.000000e+00> : vector<64xf32>
    %reduce_sum3A_15 = vector.multi_reduction <add>, %reshape3A, %reduce_sum3A [0] : vector<5120x64xf32> to vector<64xf32>
    %broadcast_in_dim3A_16 = vector.shape_cast %reduce_sum3A_15 : vector<64xf32> to vector<1x64xf32>
    %mul3A = arith.mulf %reshape3A, %reshape3A : vector<5120x64xf32>
    %reduce_sum3A_17 = arith.constant dense<0.000000e+00> : vector<64xf32>
    %reduce_sum3A_18 = vector.multi_reduction <add>, %mul3A, %reduce_sum3A_17 [0] : vector<5120x64xf32> to vector<64xf32>
    %broadcast_in_dim3A_19 = vector.shape_cast %reduce_sum3A_18 : vector<64xf32> to vector<1x64xf32>
    %get3A_20 = arith.constant 0 : index
    %get3A_21 = arith.constant 0 : index
    %get3A_22 = vector.load %arg4[%get3A_20, %get3A_21] : memref<2x64xf32, #tpu.memory_space<vmem>>, vector<2x64xf32>
    %concatenate3A = tpu.concatenate %broadcast_in_dim3A_16, %broadcast_in_dim3A_19 in 0 : vector<1x64xf32>, vector<1x64xf32> -> vector<2x64xf32>
    %add3A_23 = arith.addf %get3A_22, %concatenate3A : vector<2x64xf32>
    %swap3A = arith.constant 0 : index
    %swap3A_24 = arith.constant 0 : index
    %swap3A_25 = vector.load %arg4[%swap3A, %swap3A_24] : memref<2x64xf32, #tpu.memory_space<vmem>>, vector<2x64xf32>
    tpu.vector_store %arg4[%swap3A, %swap3A_24], %add3A_23 {strides = array<i32>} : memref<2x64xf32, #tpu.memory_space<vmem>>, vector<2x64xf32>,
    return
  }
  func.func @transform_0(%arg0: i32, %arg1: i32) -> (i32, i32, i32, i32) {
    %c0_i32 = arith.constant 0 : i32
    %c0_i32_0 = arith.constant 0 : i32
    %c0_i32_1 = arith.constant 0 : i32
    return %arg0, %c0_i32, %arg1, %c0_i32_0 : i32, i32, i32, i32
  }
  func.func @transform_1(%arg0: i32, %arg1: i32) -> (i32, i32, i32) {
    %c0_i32 = arith.constant 0 : i32
    %c0_i32_0 = arith.constant 0 : i32
    return %arg0, %arg1, %c0_i32 : i32, i32, i32
  }
  func.func @transform_2(%arg0: i32, %arg1: i32) -> (i32, i32) {
    %c0_i32 = arith.constant 0 : i32
    %c0_i32_0 = arith.constant 0 : i32
    %c0_i32_1 = arith.constant 0 : i32
    return %c0_i32, %c0_i32_0 : i32, i32
  }
}

module attributes {stable_mosaic.version = 14 : i64} {
  func.func @_c3_body(%arg0: i32, %arg1: memref<1x4096x64xf32, #tpu.memory_space<vmem>>, %arg2: memref<2x64xf32, #tpu.memory_space<vmem>>, %arg3: memref<1x64xf32, #tpu.memory_space<vmem>>, %arg4: memref<1x64xf32, #tpu.memory_space<vmem>>, %arg5: memref<1x4096x64xf32, #tpu.memory_space<vmem>>) attributes {dimension_semantics = [#tpu.dimension_semantics<arbitrary>], iteration_bounds = array<i64: 4>, scalar_prefetch = 0 : i64, scratch_operands = 0 : i64, tpu.core_type = #tpu.core_type<tc>, window_params = [{transform_indices = @transform_0, window_bounds = array<i64: 1, 4096, 64>}, {pipeline_mode = #tpu.pipeline_mode<synchronous>, transform_indices = @transform_1, window_bounds = array<i64: 2, 64>}, {pipeline_mode = #tpu.pipeline_mode<synchronous>, transform_indices = @transform_2, window_bounds = array<i64: 1, 64>}, {pipeline_mode = #tpu.pipeline_mode<synchronous>, transform_indices = @transform_3, window_bounds = array<i64: 1, 64>}, {transform_indices = @transform_4, window_bounds = array<i64: 1, 4096, 64>}]} {
    %get3A = arith.constant 0 : index
    %get3A_0 = arith.constant 0 : index
    %get3A_1 = vector.load %arg2[%get3A, %get3A_0] : memref<2x64xf32, #tpu.memory_space<vmem>>, vector<1x64xf32>
    %mul3A = arith.constant 3.05175786E-6 : f32
    %mul3A_2 = vector.broadcast %mul3A : f32 to vector<1x64xf32>
    %mul3A_3 = arith.mulf %get3A_1, %mul3A_2 : vector<1x64xf32>
    %get3A_4 = arith.constant 1 : index
    %get3A_5 = arith.constant 0 : index
    %get3A_6 = vector.load %arg2[%get3A_4, %get3A_5] : memref<2x64xf32, #tpu.memory_space<vmem>>, vector<1x64xf32>
    %mul3A_7 = arith.constant 3.05175786E-6 : f32
    %mul3A_8 = vector.broadcast %mul3A_7 : f32 to vector<1x64xf32>
    %mul3A_9 = arith.mulf %get3A_6, %mul3A_8 : vector<1x64xf32>
    %mul3A_10 = arith.mulf %mul3A_3, %mul3A_3 : vector<1x64xf32>
    %sub3A = arith.subf %mul3A_9, %mul3A_10 : vector<1x64xf32>
    %get3A_11 = arith.constant 0 : index
    %get3A_12 = arith.constant 0 : index
    %get3A_13 = vector.load %arg3[%get3A_11, %get3A_12] : memref<1x64xf32, #tpu.memory_space<vmem>>, vector<1x64xf32>
    %add3A = arith.constant 9.99999974E-6 : f32
    %add3A_14 = vector.broadcast %add3A : f32 to vector<1x64xf32>
    %add3A_15 = arith.addf %sub3A, %add3A_14 : vector<1x64xf32>
    %rsqrt3A = math.rsqrt %add3A_15 : vector<1x64xf32>
    %mul3A_16 = arith.mulf %get3A_13, %rsqrt3A : vector<1x64xf32>
    %get3A_17 = arith.constant 0 : index
    %get3A_18 = arith.constant 0 : index
    %get3A_19 = arith.constant 0 : index
    %get3A_20 = vector.load %arg1[%get3A_17, %get3A_18, %get3A_19] : memref<1x4096x64xf32, #tpu.memory_space<vmem>>, vector<1x4096x64xf32>
    %get3A_21 = vector.shape_cast %get3A_20 : vector<1x4096x64xf32> to vector<4096x64xf32>
    %sub3A_22 = vector.broadcast %mul3A_3 : vector<1x64xf32> to vector<4096x64xf32>
    %sub3A_23 = arith.subf %get3A_21, %sub3A_22 : vector<4096x64xf32>
    %mul3A_24 = vector.broadcast %mul3A_16 : vector<1x64xf32> to vector<4096x64xf32>
    %mul3A_25 = arith.mulf %sub3A_23, %mul3A_24 : vector<4096x64xf32>
    %get3A_26 = arith.constant 0 : index
    %get3A_27 = arith.constant 0 : index
    %get3A_28 = vector.load %arg4[%get3A_26, %get3A_27] : memref<1x64xf32, #tpu.memory_space<vmem>>, vector<1x64xf32>
    %add3A_29 = vector.broadcast %get3A_28 : vector<1x64xf32> to vector<4096x64xf32>
    %add3A_30 = arith.addf %mul3A_25, %add3A_29 : vector<4096x64xf32>
    %max3A = arith.constant 0.000000e+00 : f32
    %max3A_31 = vector.broadcast %max3A : f32 to vector<4096x64xf32>
    %max3A_32 = arith.maximumf %add3A_30, %max3A_31 : vector<4096x64xf32>
    %swap3A = arith.constant 0 : index
    %swap3A_33 = arith.constant 0 : index
    %swap3A_34 = arith.constant 0 : index
    %swap3A_35 = vector.load %arg5[%swap3A, %swap3A_33, %swap3A_34] : memref<1x4096x64xf32, #tpu.memory_space<vmem>>, vector<1x4096x64xf32>
    %swap3A_36 = vector.shape_cast %swap3A_35 : vector<1x4096x64xf32> to vector<4096x64xf32>
    %swap3A_37 = vector.shape_cast %max3A_32 : vector<4096x64xf32> to vector<1x4096x64xf32>
    tpu.vector_store %arg5[%swap3A, %swap3A_33, %swap3A_34], %swap3A_37 {strides = array<i32>} : memref<1x4096x64xf32, #tpu.memory_space<vmem>>, vector<1x4096x64xf32>,
    return
  }
  func.func @transform_0(%arg0: i32) -> (i32, i32, i32) {
    %c0_i32 = arith.constant 0 : i32
    %c0_i32_0 = arith.constant 0 : i32
    %c0_i32_1 = arith.constant 0 : i32
    return %arg0, %c0_i32, %c0_i32_0 : i32, i32, i32
  }
  func.func @transform_1(%arg0: i32) -> (i32, i32) {
    %c0_i32 = arith.constant 0 : i32
    %c0_i32_0 = arith.constant 0 : i32
    %c0_i32_1 = arith.constant 0 : i32
    return %c0_i32, %c0_i32_0 : i32, i32
  }
  func.func @transform_2(%arg0: i32) -> (i32, i32) {
    %c0_i32 = arith.constant 0 : i32
    %c0_i32_0 = arith.constant 0 : i32
    %c0_i32_1 = arith.constant 0 : i32
    return %c0_i32, %c0_i32_0 : i32, i32
  }
  func.func @transform_3(%arg0: i32) -> (i32, i32) {
    %c0_i32 = arith.constant 0 : i32
    %c0_i32_0 = arith.constant 0 : i32
    %c0_i32_1 = arith.constant 0 : i32
    return %c0_i32, %c0_i32_0 : i32, i32
  }
  func.func @transform_4(%arg0: i32) -> (i32, i32, i32) {
    %c0_i32 = arith.constant 0 : i32
    %c0_i32_0 = arith.constant 0 : i32
    %c0_i32_1 = arith.constant 0 : i32
    return %arg0, %c0_i32, %c0_i32_0 : i32, i32, i32
  }
}

</mosaic_0001>

<sc_bundles>
// kernel: kernel.7.cloned.1.call-start
scs
__scs_entry_jumppad:
0x0: {  	(pc) =	sbr.rel $0x88, $3  }
0x1: {  	(tag) =	ssettag $0x0;
	lr =	simm.s32 $0x1  }
0x2: {  	[smem:$0x3F99] =	sst lr;
	_ =	strace $0xD0000000  }
0x3: {  	_ = 	snop  }
0x4: {  	_ = 	snop  }
0x5: {  	_ = 	snop  }
0x6: {  	_ = 	snop  }
0x7: {  	_ = 	snop  }
__scs_overlays_trampoline_lowered:
0x8: {  	[smem:$0x3FA8] =	sst s0  }
0x9: {  	[smem:$0x3FA9] =	sst s1  }
0xa: {  	[smem:$0x3FAA] =	sst s2  }
0xb: {  	[smem:$0x3FAB] =	sst s3  }
0xc: {  	[smem:$0x3FAC] =	sst s4  }
0xd: {  	[smem:$0x3FAD] =	sst s5  }
0xe: {  	[smem:$0x3FAE] =	sst s6  }
0xf: {  	[smem:$0x3FAF] =	sst s7  }
0x10: {  	[smem:$0x3FB0] =	sst s8  }
0x11: {  	[smem:$0x3FB1] =	sst s9;
	s0 =	simm.s32 @!p0 $0x0  }
0x12: {  	s1 =	sld [smem:$0x3F97];
	s0 =	simm.s32 @p0 $0x1  }
0x13: {  	[smem:$0x3FB2] =	sst s0;
	s0 =	simm.s32 @!p1 $0x0  }
0x14: {  	s2 =	sld [smem:$0x3F96];
	s0 =	simm.s32 @p1 $0x1  }
0x15: {  	[smem:$0x3FB3] =	sst s0;
	s0 =	simm.s32 @!p2 $0x0  }
0x16: {  	s3 =	sld [smem:$0x3FDB];
	s0 =	simm.s32 @p2 $0x1  }
0x17: {  	s4 =	simm.s32 $0x1BF5;
	[smem:$0x3FB5] =	sst s0  }
0x18: {  	s0 =	sld [smem:$0x3F98];
	_ =	swait.ge [sflag:s4], $0x0  }
0x19: {  	s7 =	sld [smem:$0x3F99]  }
0x1a: {  	s8 =	sadd.s32 $0xFFFFE003, lr  }
0x1b: {  	s9 =	sadd.s32 $0xFFFFFEF7, lr;
	s5 =	simm.s32 $0xFFFFFFFF;
	p2 =	slt.u32 s8, $0xFFFFF086  }
0x1c: {  	p1 =	slt.u32 s9, $0xF7A;
	s5 =	simm.s32 @!p2 $0x0  }
0x1d: {  	s5 =	simm.s32 @p1 $0x1;
	p0 =	seq.s32 s7, s2  }
0x1e: {  	s7 =	smul.u32 @!p0 $0xF7A, s2;
	p2 =	seq.s32 @!p0 s5, $0x0  }
0x1f: {  	s9 =	smul.u32 $0xF7A, s1;
	s8 =	simm.s32 @!p0 $0x1BF5;
	p2 =	por !p2, p0  }
0x20: {  	[sflag:s8] =	ssyncset.s32 @!p0 $0xFFFFF086;
	s6 =	sadd.s32 @!p0 s3, s7;
	s7 =	simm.s32 @!p0 $0x108  }
0x21: {  	s3 =	sadd.s32 s3, s9;
	s6 =	sadd.s32 @!p0 $0x88, s6;
	s7 =	simm.s32 @p2 $0x1082  }
0x22: {  	[simem:s7], [sflag:s8] =	dma.local @!p0 [hbm:s6], $0xF7A  }
0x23: {  	s9 =	sor.u32 $0xD0000000, s2;
	s6 =	simm.s32 $0x108;
	_ =	swait.ge @!p0 [sflag:s8], $0x0  }
0x24: {  	s3 =	sadd.s32 $0x88, s3;
	s6 =	simm.s32 @!p1 $0x1082;
	[sflag:s4] =	ssyncset.s32 $0xFFFFF086  }
0x25: {  	[simem:s6], [sflag:s4] =	dma.local [hbm:s3], $0xF7A  }
0x26: {  	[smem:$0x3F99] =	sst s1;
	(tag) =	ssettag s2;
	_ =	strace s9  }
0x27: {  	s1 =	sld [smem:$0x3FA9]  }
0x28: {  	s2 =	sld [smem:$0x3FAA]  }
0x29: {  	s4 =	sld [smem:$0x3FAC]  }
0x2a: {  	p0 =	seq.s32 s5, $0x0;
	s5 =	sld [smem:$0x3FAD]  }
0x2b: {  	s6 =	sld [smem:$0x3FAE]  }
0x2c: {  	s7 =	sld [smem:$0x3FAF]  }
0x2d: {  	s3 =	simm.s32 $0x108;
	s8 =	sld [smem:$0x3FB0]  }
0x2e: {  	s3 =	simm.s32 @!p0 $0x1082;
	s9 =	sld [smem:$0x3FB1]  }
0x2f: {  	lr =	sadd.s32 s0, s3;
	s0 =	sld [smem:$0x3FA8]  }
0x30: {  	s3 =	sld [smem:$0x3FAB]  }
0x31: {  	[smem:$0x3FB4] =	sst s10  }
0x32: {  	s10 =	sld [smem:$0x3FB2];
	_ =	sdelay $0x3  }
0x33: {  	p0 =	seq.s32 s10, $0x1;
	s10 =	sld [smem:$0x3FB4];
	_ =	sdelay $0x3  }
0x34: {  	[smem:$0x3FB4] =	sst s10  }
0x35: {  	s10 =	sld [smem:$0x3FB3];
	_ =	sdelay $0x3  }
0x36: {  	p1 =	seq.s32 s10, $0x1;
	s10 =	sld [smem:$0x3FB4];
	_ =	sdelay $0x3  }
0x37: {  	[smem:$0x3FB4] =	sst s10  }
0x38: {  	s10 =	sld [smem:$0x3FB5]  }
0x39: {  	_ = 	snop;
	(pc) =	sbr.ind lr, $3  }
0x3a: {  	_ = 	snop  }
0x3b: {  	_ = 	snop  }
0x3c: {  	p2 =	seq.s32 s10, $0x1;
	s10 =	sld [smem:$0x3FB4]  }
0x3d: {  	_ =	shalt  }
0x3e: {  	_ =	shalt  }
0x3f: {  	_ =	shalt  }
0x40: {  	_ =	shalt  }
0x41: {  	_ =	shalt  }
0x42: {  	_ =	shalt  }
0x43: {  	_ =	shalt  }
0x44: {  	_ =	shalt  }
0x45: {  	_ =	shalt  }
0x46: {  	_ =	shalt  }
0x47: {  	_ =	shalt  }
0x48: {  	_ =	shalt  }
0x49: {  	_ =	shalt  }
0x4a: {  	_ =	shalt  }
0x4b: {  	_ =	shalt  }
0x4c: {  	_ =	shalt  }
0x4d: {  	_ =	shalt  }
0x4e: {  	_ =	shalt  }
0x4f: {  	_ =	shalt  }
0x50: {  	_ =	shalt  }
0x51: {  	_ =	shalt  }
0x52: {  	_ =	shalt  }
0x53: {  	_ =	shalt  }
0x54: {  	_ =	shalt  }
0x55: {  	_ =	shalt  }
0x56: {  	_ =	shalt  }
0x57: {  	_ =	shalt  }
0x58: {  	_ =	shalt  }
0x59: {  	_ =	shalt  }
0x5a: {  	_ =	shalt  }
0x5b: {  	_ =	shalt  }
0x5c: {  	_ =	shalt  }
0x5d: {  	_ =	shalt  }
0x5e: {  	_ =	shalt  }
0x5f: {  	_ =	shalt  }
0x60: {  	_ =	shalt  }
0x61: {  	_ =	shalt  }
0x62: {  	_ =	shalt  }
0x63: {  	_ =	shalt  }
0x64: {  	_ =	shalt  }
0x65: {  	_ =	shalt  }
0x66: {  	_ =	shalt  }
0x67: {  	_ =	shalt  }
0x68: {  	_ =	shalt  }
0x69: {  	_ =	shalt  }
0x6a: {  	_ =	shalt  }
0x6b: {  	_ =	shalt  }
0x6c: {  	_ =	shalt  }
0x6d: {  	_ =	shalt  }
0x6e: {  	_ =	shalt  }
0x6f: {  	_ =	shalt  }
0x70: {  	_ =	shalt  }
0x71: {  	_ =	shalt  }
0x72: {  	_ =	shalt  }
0x73: {  	_ =	shalt  }
0x74: {  	_ =	shalt  }
0x75: {  	_ =	shalt  }
0x76: {  	_ =	shalt  }
0x77: {  	_ =	shalt  }
0x78: {  	_ =	shalt  }
0x79: {  	_ =	shalt  }
0x7a: {  	_ =	shalt  }
0x7b: {  	_ =	shalt  }
0x7c: {  	_ =	shalt  }
0x7d: {  	_ =	shalt  }
0x7e: {  	_ =	shalt  }
0x7f: {  	_ =	shalt  }
0x80: {  	_ =	shalt  }
0x81: {  	_ =	shalt  }
0x82: {  	_ =	shalt  }
0x83: {  	_ =	shalt  }
0x84: {  	_ =	shalt  }
0x85: {  	_ =	shalt  }
0x86: {  	_ =	shalt  }
0x87: {  	_ =	shalt  }
.Lfunc_end0:
.L_simem_size_0:
called_computation_lowered:
.L_overlay_start_0:
0x88: {  	s2 =	sld [smem:$0x3FD9]  }
0x89: {  	s3 =	sld [smem:$0x3FFE];
	_ =	sdelay $0x1  }
0x8a: {  	s1 =	srdreg.scid  }
0x8b: {  	s0 =	sand.u32 $0x1, s1  }
0x8c: {  	s17 =	sshll.u32 s0, $0xA;
	s2 =	sadd.s32 s3, s2  }
0x8d: {  	s2 =	sadd.s32 s2, s17  }
0x8e: {  	[smem:$0x3FC0] =	sst s2  }
0x8f: {  	_ = 	snop  }
0x90: {  	s2 =	sld [smem:$0x3FD0];
	(tm) =	ssettm $0x1  }
0x91: {  	s18 =	sld [smem:$0x3FFB];
	_ =	sdelay $0x3  }
0x92: {  	_ =	strace s18  }
0x93: {  	s3 =	sld [smem:$0x3FFC];
	_ =	sdelay $0x3  }
0x94: {  	_ =	strace s3  }
0x95: {  	s3 =	sld [smem:$0x3FFD];
	_ =	sdelay $0x3  }
0x96: {  	_ =	strace s3  }
0x97: {  	_ =	strace $0x8FFFFFFF  }
0x98: {  	s19 =	sld [smem:$0x3FDB];
	_ =	sdelay $0x1  }
0x99: {  	s4 =	simm.s32 $_scs_section_size  }
0x9a: {  	s5 =	simm.s32 $_size__tile_overlayer_lowered;
	s6 =	simm.s32 $_tile_overlayer_lowered  }
0x9b: {  	s22 =	simm.s32 $0x1BFF;
	s21 =	sshll.u32 s6, $0x1;
	s3 =	sadd.s32 s4, s19  }
0x9c: {  	s7 =	simm.s32 $0x0;
	s20 =	sshll.u32 s5, $0x1;
	s5 =	sadd.s32 s21, s3  }
0x9d: {  	[timem:s7], [sflag:s22] =	dma.local [hbm:s5], s20  }
0x9e: {  	_ =	swait.ge [sflag:s22], s20  }
0x9f: {  	s4 =	ssub.s32 $0x0, s20;
	[sflag:s22] =	ssyncset.done $0x0  }
0xa0: {  	[sflag:s22] =	ssyncadd.s32 s4;
	_ =	sdelay $0x1  }
0xa1: {  	s23 =	simm.s32 $0x1B8B  }
0xa2: {  	_ =	swait.ge [sflag:s23], $0x1  }
0xa3: {  	[sflag:s23] =	ssyncset.done $0x0  }
0xa4: {  	s25 =	simm.s32 $0x1B8E;
	s24 =	sld [smem:$0x3FFE];
	[sflag:s23] =	ssyncadd.s32 $0xFFFFFFFF  }
0xa5: {  	s26 =	simm.s32 $execute0_lowered;
	[smem:$0x3FD2] =	sst s25  }
0xa6: {  	s5 =	sshll.u32 s26, $0x1;
	_ =	strace $0x80000046;
	[dreg:$0x1] =	wrdreg $0xFFFFFFFF  }
0xa7: {  	s28 =	simm.s32 $_size_execute0_lowered;
	s3 =	sadd.s32 s3, s5;
	[dreg:$0x0] =	wrdreg $0x0  }
0xa8: {  	s5 =	sshll.u32 s28, $0x1;
	[dreg:$0x2] =	wrdreg s3  }
0xa9: {  	[dreg:$0x3] =	wrdreg s5  }
0xaa: {  	[dreg:$0x4] =	wrdreg $0xC0  }
0xab: {  	_ =	task [dreg:s7], $0x5FFFF  }
0xac: {  	[dreg:$0x1] =	wrdreg $0xFFFFFFFF  }
0xad: {  	[dreg:$0x0] =	wrdreg $0x60  }
0xae: {  	[dreg:$0x2] =	wrdreg s24  }
0xaf: {  	[dreg:$0x3] =	wrdreg s2  }
0xb0: {  	[dreg:$0x4] =	wrdreg $0x9  }
0xb1: {  	_ =	task.clear_ibuf [dreg:s7], $0x5FFFF;
	_ =	strace $0x90000046  }
0xb2: {  	s29 =	simm.s32 $0x9;
	_ =	strace $0x80000048  }
0xb3: {  	_ =	swait.ge [sflag:s29], $0x1  }
0xb4: {  	[sflag:s29] =	ssyncadd.s32 $0xFFFFFFFF  }
0xb5: {  	_ =	strace $0x90000048  }
0xb6: {  	_ =	sfence  }
0xb7: {  	s30 =	sld [smem:$0x0];
	_ =	sdelay $0x2  }
0xb8: {  	s31 =	sshll.u32 s1, $0xD;
	s1 =	sshrl.u32 s1, $0x2  }
0xb9: {  	s3 =	sand.u32 $0x4000, s31;
	s1 =	sadd.s32 s1, s30  }
0xba: {  	s0 =	sor.u32 s3, s0;
	s1 =	sshll.u32 s1, $0x11  }
0xbb: {  	s0 =	sor.u32 s1, s0  }
0xbc: {  	s0 =	sadd.s32 $0x8F2B, s0  }
0xbd: {  	[sflag:s0] =	ssyncadd.remote.s32 $0x1  }
0xbe: {  	_ =	sfence.sel $0xFFFF  }
0xbf: {  	[dreg:$0x0] =	wrdreg $0xFFFFFFFF;
	(pc) =	sbr.abs _section_cstart, $3  }
0xc0: {  	[dreg:$0x1] =	wrdreg $0xFFFFFFFF  }
0xc1: {  	_ =	task.clear_ibuf [dreg:s7], $0x2FFFF;
	_ =	strace $0x9FFFFFFF  }
0xc2: {  	(tm) =	ssettm $0x7FFFFFFF  }
0xc3: {  	_ =	shalt  }
tec
execute0_lowered:
.L_overlay_start_1:
0x0: {  	(tag) =	ssettag $0x1  }
0x1: {  	s4 =	rddreg [dreg:$0x0];
	s1 =	srdreg.scid  }
0x2: {  	s0 =	stileid.u32;
	s2 =	rddreg [dreg:$0x1]  }
0x3: {  	s3 =	simm.s32 $0x0;
	s14 =	simm.s32 $0x1;
	s10 =	smul.u32 $0x140000, s0  }
0x4: {  	s15 =	simm.s32 $0x2;
	s5 =	sand.u32 $0x1, s1;
	s25 =	smul.u32 $0x5000, s0  }
0x5: {  	s16 =	simm.s32 $0x2780;
	s6 =	sshll.u32 s0, $0x1;
	s12 =	smul.u32 $0xA0000, s5  }
0x6: {  	s1 =	rddreg [dreg:$0x2];
	s6 =	sor.u32 s5, s6;
	s28 =	smul.u32 $0x2800, s5  }
0x7: {  	s17 =	simm.s32 $0x0;
	[smem:$0x7FF] =	sst s3;
	s7 =	smul.u32 $0x2800, s6  }
0x8: {  	s13 =	sadd.s32 $0xC1800, s4;
	s9 =	ssub.s32 $0x2, s5;
	s8 =	smul.u32 $0xA0000, s6  }
0x9: {  	_ =	strace $0x80000047;
	s11 =	sshrl.u32 s9, $0x1;
	s29 =	smul.u32 $0x14000, s6  }
0xa: {  	s9 =	ssub.s32 s9, s11;
	s30 =	sadd.s32 s12, s10;
	s12 =	simm.s32 $0x80  }
0xb: {  	s7 =	sshrl.u32 s7, $0x3;
	s26 =	sshrl.u32 s8, $0x3;
	s5 =	smax.u32 s9, $0x1  }
0xc: {  	s8 =	sadd.s32 s28, s25;
	s9 =	sadd.s32 s13, s29;
	s10 =	sshrl.u32 s30, $0x3  }
0xd: {  	s7 =	sadd.s32 s7, s4;
	s11 =	sshll.u32 s8, $0x3;
	s8 =	sadd.s32 s10, s13  }
0xe: {  	s10 =	simm.s32 $0x3;
	s4 =	sadd.s32 $0x1800, s7;
	s7 =	sadd.s32 s13, s26  }
0xf: {  	s31 =	sadd.s32 s11, s13;
	s11 =	simm.s32 $0x2800;
	s13 =	simm.s32 $0x4800  }
0x10: {  	s6 =	sadd.s32 $0x13800, s7;
	s7 =	sadd.s32 $0x13C00, s9;
	s9 =	sadd.s32 $0x400, s31  }
.LBB2_1:
0x11: {  	[tilespmem:s3], [sflag:$0x3] =	stream.linear.gather [hbm4b:s4+s3], $0x2800, $0x38;
	[tilespmem:$0x6800] =	vst v63  }
0x12: {  	_ =	swait.ge [sflag:s10], $0x2800  }
0x13: {  	[sflag:s10] =	ssyncset.done $0x0  }
0x14: {  	[sflag:s10] =	ssyncadd.s32 $0xFFFFD800  }
0x15: {  	[tilespmem:s11], [sflag:$0x1] =	stream.indirect.gather [hbm4b:s2+s12], $0x40, s3, s12, $0xb8;
	[tilespmem:$0x6800] =	vst v63  }
0x16: {  	_ = 	snop  }
0x17: {  	[tilespmem:s13], [sflag:$0x2] =	stream.indirect.gather [hbm4b:s2+s12], $0x40, s12, s12, $0xb8;
	[tilespmem:$0x6800] =	vst v63  }
0x18: {  	_ =	swait.ge [sflag:s14], $0x2000  }
0x19: {  	[sflag:s14] =	ssyncset.done $0x0  }
0x1a: {  	s18 =	sadd.s32 $0x0, s8;
	[sflag:s14] =	ssyncadd.s32 $0xFFFFE000  }
0x1b: {  	[hbm4b:s18+s3] =	stream.linear.scatter [tilespmem:s11], [sflag:$0x3], $0x2000, $0x38;
	[tilespmem:$0x6800] =	vst v63  }
0x1c: {  	_ =	swait.ge [sflag:s10], $0x2000  }
0x1d: {  	[sflag:s10] =	ssyncset.done $0x0  }
0x1e: {  	s30 =	simm.s32 $0x100;
	[sflag:s10] =	ssyncadd.s32 $0xFFFFE000  }
0x1f: {  	[tilespmem:s11], [sflag:$0x1] =	stream.indirect.gather [hbm4b:s2+s12], $0x40, s30, s12, $0xb8;
	[tilespmem:$0x6800] =	vst v63  }
0x20: {  	_ =	swait.ge [sflag:s15], $0x2000  }
0x21: {  	[sflag:s15] =	ssyncset.done $0x0  }
0x22: {  	s31 =	sadd.s32 $0x0, s9;
	[sflag:s15] =	ssyncadd.s32 $0xFFFFE000  }
0x23: {  	[hbm4b:s31+s3] =	stream.linear.scatter [tilespmem:s13], [sflag:$0x3], $0x2000, $0x38;
	[tilespmem:$0x6800] =	vst v63  }
0x24: {  	_ =	swait.ge [sflag:s10], $0x2000  }
0x25: {  	s19 =	simm.s32 $0x80;
	s18 =	simm.s32 $0x800;
	[sflag:s10] =	ssyncset.done $0x0  }
.LBB2_2:
0x26: {  	p0 =	sne.s32 s18, $0x13000;
	[sflag:s10] =	ssyncadd.s32 $0xFFFFE000;
	s19 =	sadd.s32 $0x100, s19  }
0x27: {  	[tilespmem:s13], [sflag:$0x2] =	stream.indirect.gather [hbm4b:s2+s12], $0x40, s19, s12, $0xb8;
	[tilespmem:$0x6800] =	vst v63  }
0x28: {  	s20 =	smov.u32 s18;
	s18 =	sadd.s32 $0x800, s18;
	_ =	swait.ge [sflag:s14], $0x2000  }
0x29: {  	[sflag:s14] =	ssyncset.done $0x0  }
0x2a: {  	s21 =	sadd.s32 s20, s8;
	[sflag:s14] =	ssyncadd.s32 $0xFFFFE000  }
0x2b: {  	[hbm4b:s21+s3] =	stream.linear.scatter [tilespmem:s11], [sflag:$0x3], $0x2000, $0x38;
	[tilespmem:$0x6800] =	vst v63  }
0x2c: {  	_ =	swait.ge [sflag:s10], $0x2000  }
0x2d: {  	[sflag:s10] =	ssyncset.done $0x0  }
0x2e: {  	s21 =	sadd.s32 $0x80, s19;
	[sflag:s10] =	ssyncadd.s32 $0xFFFFE000  }
0x2f: {  	[tilespmem:s11], [sflag:$0x1] =	stream.indirect.gather [hbm4b:s2+s12], $0x40, s21, s12, $0xb8;
	[tilespmem:$0x6800] =	vst v63  }
0x30: {  	_ =	swait.ge [sflag:s15], $0x2000  }
.Ltmp0:
0x31: {  	[sflag:s15] =	ssyncset.done $0x0;
	(pc) =	sbr.rel @p0 .LBB2_2-.Ltmp0, $4  }
0x32: {  	s20 =	sadd.s32 s20, s9;
	[sflag:s15] =	ssyncadd.s32 $0xFFFFE000  }
0x33: {  	[hbm4b:s20+s3] =	stream.linear.scatter [tilespmem:s13], [sflag:$0x3], $0x2000, $0x38;
	[tilespmem:$0x6800] =	vst v63  }
0x34: {  	_ =	swait.ge [sflag:s10], $0x2000  }
0x35: {  	[sflag:s10] =	ssyncset.done $0x0  }
0x36: {  	[sflag:s10] =	ssyncadd.s32 $0xFFFFE000  }
0x37: {  	[tilespmem:s13], [sflag:$0x2] =	stream.indirect.gather [hbm4b:s2+s12], $0x40, s16, s12, $0xb8;
	[tilespmem:$0x6800] =	vst v63  }
0x38: {  	_ =	swait.ge [sflag:s14], $0x2000  }
0x39: {  	[sflag:s14] =	ssyncset.done $0x0  }
0x3a: {  	[sflag:s14] =	ssyncadd.s32 $0xFFFFE000  }
0x3b: {  	[hbm4b:s6+s3] =	stream.linear.scatter [tilespmem:s11], [sflag:$0x3], $0x2000, $0x38;
	[tilespmem:$0x6800] =	vst v63  }
0x3c: {  	_ =	swait.ge [sflag:s10], $0x2000  }
0x3d: {  	[sflag:s10] =	ssyncset.done $0x0  }
0x3e: {  	[sflag:s10] =	ssyncadd.s32 $0xFFFFE000  }
0x3f: {  	s17 =	sadd.s32 $0x1, s17;
	_ =	swait.ge [sflag:s15], $0x2000  }
0x40: {  	p0 =	sne.s32 s17, s5;
	[sflag:s15] =	ssyncset.done $0x0  }
.Ltmp1:
0x41: {  	[sflag:s15] =	ssyncadd.s32 $0xFFFFE000;
	(pc) =	sbr.rel @p0 .LBB2_1-.Ltmp1, $4  }
0x42: {  	[hbm4b:s7+s3] =	stream.linear.scatter [tilespmem:s13], [sflag:$0x3], $0x2000, $0x38;
	[tilespmem:$0x6800] =	vst v63  }
0x43: {  	_ =	swait.ge [sflag:s10], $0x2000  }
0x44: {  	[sflag:s10] =	ssyncset.done $0x0  }
0x45: {  	[sflag:s10] =	ssyncadd.s32 $0xFFFFE000  }
0x46: {  	_ =	sfence.sel $0x180000  }
0x47: {  	[bflag:$0x0] =	sbarrier.arrive $0xFFFF  }
0x48: {  	p0 =	sne.s32 s0, $0x0;
	_ =	strace $0x90000047  }
0x49: {  	s0 =	sadd.s32 @!p0 $0x100000, s1;
	[bflag:$0x2] =	sbarrier.arrive $0xFFFF  }
0x4a: {  	[sflag:s0] =	ssyncadd.tile.s32 @!p0 $0x1;
	_ =	shalt  }
.Lfunc_end2:
_tile_overlayer_lowered:
.L_overlay_start_2:
0x4b: {  	(tag) =	ssettag $0x2  }
0x4c: {  	s0 =	rddreg [dreg:$0x0];
	s2 =	stileid.u32  }
0x4d: {  	s1 =	rddreg [dreg:$0x1];
	p0 =	sne.s32 s2, $0x0  }
0x4e: {  	s3 =	rddreg [dreg:$0x2];
	[bflag:$0x3] =	sbarrier.arrive $0xFFFF;
	s2 =	simm.s32 @!p0 $0x1C03  }
0x4f: {  	[timem:s3], [sflag:s2] =	dma.local @!p0 [hbm:s0], s1  }
0x50: {  	s0 =	simm.s32 @!p0 $0x3  }
0x51: {  	_ =	swait.ge @!p0 [sflag:s0], s1  }
0x52: {  	s1 =	ssub.s32 @!p0 $0x0, s1;
	[sflag:s0] =	ssyncset.done @!p0 $0x0  }
0x53: {  	[sflag:s0] =	ssyncadd.s32 @!p0 s1  }
0x54: {  	[bflag:$0x3] =	sbarrier.arrive $0xFFFF  }
0x55: {  	_ =	shalt  }

</sc_bundles>
